<compile_context>
chip_gen: v7x
topology: tpu7x:2x2x1
jax: 0.10.2.dev20260603
libtpu: 0.0.44.dev20260713+nightly
codegen_flags: <defaults>
</compile_context>

<pallas_src>
import dataclasses
import functools

import jax
import jax.numpy as jnp
import numpy as np
from jax import lax
from jax.experimental import pallas as pl
from jax.experimental.pallas import tpu as pltpu
from jax.experimental.pallas import tpu_sc as plsc

HIDDEN = 256
N_NODES = 10000
N_PAD = 10240
N_EDGES = 160000
SHIFT = float(np.log(2.0))

NC = 2
NS = 16
NW = NC * NS
RPW = HIDDEN // NW
EB = 1280
NBLK = N_EDGES // EB
GPB = EB // 16
DH = HIDDEN // 2


def _sc_segment_sum_t(et, idx):
    mesh = plsc.VectorSubcoreMesh(core_axis_name="c", subcore_axis_name="s")
    cp = pltpu.CompilerParams()
    if "needs_layout_passes" in pltpu.CompilerParams.__dataclass_fields__:
        cp = dataclasses.replace(cp, needs_layout_passes=False)

    @functools.partial(
        pl.kernel,
        mesh=mesh,
        compiler_params=cp,
        out_type=jax.ShapeDtypeStruct((HIDDEN, N_PAD), jnp.float32),
        scratch_types=[
            pltpu.VMEM((RPW, N_PAD), jnp.float32),
            pltpu.VMEM((RPW, EB), jnp.float32),
            pltpu.VMEM((RPW, EB), jnp.float32),
            pltpu.VMEM((EB,), jnp.int32),
            pltpu.VMEM((EB,), jnp.int32),
            pltpu.SemaphoreType.DMA,
            pltpu.SemaphoreType.DMA,
        ],
    )
    def k(et_hbm, idx_hbm, out_hbm, acc, e0, e1, i0, i1, sem0, sem1):
        c = lax.axis_index("c")
        s = lax.axis_index("s")
        w = s * NC + c
        r0 = w * RPW

        def gather(j, ebuf, ibuf, sem):
            base = j * EB
            ce = pltpu.make_async_copy(
                et_hbm.at[pl.ds(r0, RPW), pl.ds(base, EB)], ebuf, sem)
            ci = pltpu.make_async_copy(idx_hbm.at[1, pl.ds(base, EB)], ibuf,
                                       sem)
            return ce, ci

        def start(j, ebuf, ibuf, sem):
            ce, ci = gather(j, ebuf, ibuf, sem)
            ce.start()
            ci.start()

        def wait(j, ebuf, ibuf, sem):
            ce, ci = gather(j, ebuf, ibuf, sem)
            ce.wait()
            ci.wait()

        start(0, e0, i0, sem0)

        zv = jnp.zeros((16,), jnp.float32)

        @pl.loop(0, RPW)
        def _(r):
            @pl.loop(0, N_PAD // 16)
            def _(g):
                acc[r, pl.ds(g * 16, 16)] = zv

        def accumulate(ebuf, ibuf):
            @plsc.parallel_loop(0, GPB, unroll=4)
            def _(g):
                iv = ibuf[pl.ds(g * 16, 16)]
                for r in range(RPW):
                    rv = jnp.full((16,), r, jnp.int32)
                    vals = ebuf[r, pl.ds(g * 16, 16)]
                    plsc.addupdate_scatter(acc, [rv, iv], vals)

        @pl.loop(0, NBLK - 1, step=2)
        def _(j):
            start(j + 1, e1, i1, sem1)
            wait(j, e0, i0, sem0)
            accumulate(e0, i0)
            start(j + 2, e0, i0, sem0)
            wait(j + 1, e1, i1, sem1)
            accumulate(e1, i1)

        wait(NBLK - 1, e0, i0, sem0)
        accumulate(e0, i0)

        pltpu.sync_copy(acc, out_hbm.at[pl.ds(r0, RPW)])

    return k(et, idx)


TB = 1024


def _transpose_body(in_ref, o_ref):
    o_ref[...] = in_ref[...].T


def _transpose_agg(agg_t):
    return pl.pallas_call(
        _transpose_body,
        grid=(N_PAD // TB,),
        in_specs=[pl.BlockSpec((HIDDEN, TB), lambda i: (0, i))],
        out_specs=pl.BlockSpec((TB, HIDDEN), lambda i: (i, 0)),
        out_shape=jax.ShapeDtypeStruct((N_PAD, HIDDEN), jnp.float32),
        compiler_params=pltpu.CompilerParams(
            dimension_semantics=("parallel",)),
    )(agg_t)


def _mlp_body(a0_ref, a1_ref, v_ref, w1a_ref, w1b_ref, bias1_ref, w2_ref,
              bias2_ref, o_ref):
    dn = (((1,), (1,)), ((), ()))
    h = (
        lax.dot_general(a0_ref[...], w1a_ref[...], dn,
                        preferred_element_type=jnp.float32)
        + lax.dot_general(a1_ref[...], w1b_ref[...], dn,
                          preferred_element_type=jnp.float32)
        + bias1_ref[...]
    )
    sp = jnp.logaddexp(h, 0.0) - SHIFT
    o_ref[...] = (
        lax.dot_general(sp, w2_ref[...], dn,
                        preferred_element_type=jnp.float32)
        + bias2_ref[...]
        + v_ref[...]
    )


def _mlp(agg, v, w1a, w1b, b1, w2, b2):
    rows = 1000
    grid = (N_NODES // rows,)
    return pl.pallas_call(
        _mlp_body,
        grid=grid,
        in_specs=[
            pl.BlockSpec((rows, DH), lambda i: (i, 0)),
            pl.BlockSpec((rows, DH), lambda i: (i, 1)),
            pl.BlockSpec((rows, HIDDEN), lambda i: (i, 0)),
            pl.BlockSpec((HIDDEN, DH), lambda i: (0, 0)),
            pl.BlockSpec((HIDDEN, DH), lambda i: (0, 0)),
            pl.BlockSpec((1, HIDDEN), lambda i: (0, 0)),
            pl.BlockSpec((HIDDEN, HIDDEN), lambda i: (0, 0)),
            pl.BlockSpec((1, HIDDEN), lambda i: (0, 0)),
        ],
        out_specs=pl.BlockSpec((rows, HIDDEN), lambda i: (i, 0)),
        out_shape=jax.ShapeDtypeStruct((N_NODES, HIDDEN), jnp.float32),
        compiler_params=pltpu.CompilerParams(
            dimension_semantics=("parallel",)),
    )(agg, agg, v, w1a, w1b, b1, w2, b2)


def kernel(v, e, edge_index, W1, b1, W2, b2):
    idx = edge_index.astype(jnp.int32)
    et = e.reshape(N_EDGES, HIDDEN).T
    agg_t = _sc_segment_sum_t(et, idx)
    agg = _transpose_agg(agg_t)
    return _mlp(agg, v, W1[:, :DH], W1[:, DH:], b1.reshape(1, HIDDEN), W2,
                b2.reshape(1, HIDDEN))

# --- scband reference (transcript-rebuilt; emitter-appended) ---
"""Pipeline reference for scband-update-v-73933567033416 (READ-ONLY COPY).

The authoritative reference and input builder live on the scoring server;
editing this copy changes nothing except your own understanding.
"""

import jax, jax.numpy as jnp
import numpy as np

HIDDEN = 256
NUM_FILTERS = 16
NUM_HEADS = 16
N_NODES = 10000
N_EDGES = 160000
SHIFT = float(np.log(2.0))


def setup_inputs(seed: int = 0) -> dict:
    key = jax.random.key(seed)
    k_v, k_e, k_idx, k_w1, k_w2 = jax.random.split(key, 5)
    v = jax.random.normal(k_v, (N_NODES, HIDDEN), dtype=jnp.float32)
    e = jax.random.normal(k_e, (N_EDGES, NUM_HEADS, NUM_FILTERS), dtype=jnp.float32)
    edge_index = jax.random.randint(k_idx, (2, N_EDGES), 0, N_NODES, dtype=jnp.int64)
    fan = NUM_FILTERS * NUM_HEADS
    # xavier-uniform init for linear weights
    limit1 = float(np.sqrt(6.0 / (fan + HIDDEN)))
    W1 = jax.random.uniform(k_w1, (HIDDEN, fan), minval=-limit1, maxval=limit1, dtype=jnp.float32)
    b1 = jnp.zeros((HIDDEN,), dtype=jnp.float32)
    limit2 = float(np.sqrt(6.0 / (HIDDEN + HIDDEN)))
    W2 = jax.random.uniform(k_w2, (HIDDEN, HIDDEN), minval=-limit2, maxval=limit2, dtype=jnp.float32)
    b2 = jnp.zeros((HIDDEN,), dtype=jnp.float32)
    return {"v": v, "e": e, "edge_index": edge_index, "W1": W1, "b1": b1, "W2": W2, "b2": b2}


def reference(v, e, edge_index, W1, b1, W2, b2):
    # i = destination node index per edge
    i = edge_index[1]
    # scatter-add edge messages into node buckets
    out = jax.ops.segment_sum(e, i, num_segments=v.shape[0])  # [N, H, F]
    out = out.reshape(-1, NUM_FILTERS * NUM_HEADS)  # [N, H*F]
    out = out @ W1.T + b1
    out = jax.nn.softplus(out) - SHIFT  # ShiftedSoftplus
    out = out @ W2.T + b2
    return v + out

if __name__ == "__main__":
    import jax
    _d = setup_inputs()
    print(jax.jit(kernel)(*tuple(_d.values())))

</pallas_src>

<mosaic_0001>
#map = affine_map<(d0, d1) -> (0, 0)>
module attributes {stable_mosaic.version = 14 : i64} {
  func.func @k(%arg0: i32, %arg1: i32, %arg2: memref<256x160000xf32, #tpu.memory_space<hbm>>, %arg3: memref<2x160000xi32, #tpu.memory_space<hbm>>, %arg4: memref<256x10240xf32, #tpu.memory_space<hbm>>, %arg5: memref<8x10240xf32, #tpu.memory_space<vmem>>, %arg6: memref<8x1280xf32, #tpu.memory_space<vmem>>, %arg7: memref<8x1280xf32, #tpu.memory_space<vmem>>, %arg8: memref<1280xi32, #tpu.memory_space<vmem>>, %arg9: memref<1280xi32, #tpu.memory_space<vmem>>, %arg10: memref<!tpu.dma_semaphore, #tpu.memory_space<semaphore_mem>>, %arg11: memref<!tpu.dma_semaphore, #tpu.memory_space<semaphore_mem>>) attributes {dimension_semantics = [#tpu.dimension_semantics<core_parallel>, #tpu.dimension_semantics<subcore_parallel>], iteration_bounds = array<i64: 2, 16>, scalar_prefetch = 0 : i64, scratch_operands = 7 : i64, tpu.core_type = #tpu.core_type<sc_vector_subcore>, window_params = [{transform_indices = #map}, {transform_indices = #map}, {transform_indices = #map}]} {
    %mul3A = arith.constant 2 : i32
    %mul3A_0 = arith.muli %arg1, %mul3A : i32
    %add3A = arith.addi %mul3A_0, %arg0 : i32
    %mul3A_1 = arith.constant 8 : i32
    %mul3A_2 = arith.muli %add3A, %mul3A_1 : i32
    %dma_start3A = arith.constant 0 : i32
    %dma_start3A_3 = tpu.memref_slice %arg2[%mul3A_2, %dma_start3A] : memref<256x160000xf32, #tpu.memory_space<hbm>> -> memref<8x1280xf32, #tpu.memory_space<hbm>>
    %dma_start3A_4 = arith.constant 0 : i32
    %dma_start3A_5 = tpu.memref_slice %arg2[%mul3A_2, %dma_start3A_4] : memref<256x160000xf32, #tpu.memory_space<hbm>> -> memref<8x1280xf32, #tpu.memory_space<hbm>>
    tpu.enqueue_dma source(%dma_start3A_5 : memref<8x1280xf32, #tpu.memory_space<hbm>>) target(%arg6 : memref<8x1280xf32, #tpu.memory_space<vmem>>) target_semaphore(%arg10 : memref<!tpu.dma_semaphore, #tpu.memory_space<semaphore_mem>>)
    %dma_start3A_6 = arith.constant 1 : i32
    %dma_start3A_7 = arith.constant 0 : i32
    %dma_start3A_8 = tpu.memref_slice %arg3[%dma_start3A_6, %dma_start3A_7] : memref<2x160000xi32, #tpu.memory_space<hbm>> -> memref<1x1280xi32, #tpu.memory_space<hbm>>
    %dma_start3A_9 = tpu.memref_squeeze %dma_start3A_8 : memref<1x1280xi32, #tpu.memory_space<hbm>> -> memref<1280xi32, #tpu.memory_space<hbm>>
    %dma_start3A_10 = arith.constant 0 : i32
    %dma_start3A_11 = tpu.memref_slice %arg3[%dma_start3A_6, %dma_start3A_10] : memref<2x160000xi32, #tpu.memory_space<hbm>> -> memref<1x1280xi32, #tpu.memory_space<hbm>>
    %dma_start3A_12 = tpu.memref_squeeze %dma_start3A_11 : memref<1x1280xi32, #tpu.memory_space<hbm>> -> memref<1280xi32, #tpu.memory_space<hbm>>
    tpu.enqueue_dma source(%dma_start3A_12 : memref<1280xi32, #tpu.memory_space<hbm>>) target(%arg8 : memref<1280xi32, #tpu.memory_space<vmem>>) target_semaphore(%arg10 : memref<!tpu.dma_semaphore, #tpu.memory_space<semaphore_mem>>)
    %broadcast_in_dim3A = arith.constant 0.000000e+00 : f32
    %broadcast_in_dim3A_13 = vector.broadcast %broadcast_in_dim3A : f32 to vector<16xf32>
    %scan3A = arith.constant 0 : i32
    %scan3A_14 = arith.constant 8 : i32
    %scan3A_15 = arith.addi %scan3A, %scan3A_14 : i32
    %scan3A_16 = arith.constant 1 : i32
    scf.for %scan3A_35 = %scan3A to %scan3A_15 step %scan3A_16  : i32 {
      %mul3A_36 = arith.constant 1 : i32
      %mul3A_37 = arith.muli %scan3A_35, %mul3A_36 : i32
      %add3A_38 = arith.constant 0 : i32
      %add3A_39 = arith.addi %add3A_38, %mul3A_37 : i32
      %scan3A_40 = arith.constant 0 : i32
      %scan3A_41 = arith.constant 640 : i32
      %scan3A_42 = arith.addi %scan3A_40, %scan3A_41 : i32
      %scan3A_43 = arith.constant 1 : i32
      scf.for %scan3A_45 = %scan3A_40 to %scan3A_42 step %scan3A_43  : i32 {
        %mul3A_46 = arith.constant 1 : i32
        %mul3A_47 = arith.muli %scan3A_45, %mul3A_46 : i32
        %add3A_48 = arith.constant 0 : i32
        %add3A_49 = arith.addi %add3A_48, %mul3A_47 : i32
        %mul3A_50 = arith.constant 16 : i32
        %mul3A_51 = arith.muli %add3A_49, %mul3A_50 : i32
        %swap3A = arith.index_cast %add3A_39 : i32 to index
        %swap3A_52 = arith.index_cast %mul3A_51 : i32 to index
        %swap3A_53 = tpu.vector_load %arg5[%swap3A, %swap3A_52] {strides = array<i32>} : memref<8x10240xf32, #tpu.memory_space<vmem>>, vector<16xf32>,
        tpu.vector_store %arg5[%swap3A, %swap3A_52], %broadcast_in_dim3A_13 {strides = array<i32>} : memref<8x10240xf32, #tpu.memory_space<vmem>>, vector<16xf32>,
      }
      %scan3A_44 = arith.constant 640 : i32
    }
    %scan3A_17 = arith.constant 8 : i32
    %scan3A_18 = arith.constant 0 : i32
    %scan3A_19 = arith.constant 62 : i32
    %scan3A_20 = arith.addi %scan3A_18, %scan3A_19 : i32
    %scan3A_21 = arith.constant 1 : i32
    scf.for %scan3A_35 = %scan3A_18 to %scan3A_20 step %scan3A_21  : i32 {
      %mul3A_36 = arith.constant 2 : i32
      %mul3A_37 = arith.muli %scan3A_35, %mul3A_36 : i32
      %add3A_38 = arith.constant 0 : i32
      %add3A_39 = arith.addi %add3A_38, %mul3A_37 : i32
      %add3A_40 = arith.constant 1 : i32
      %add3A_41 = arith.addi %add3A_39, %add3A_40 : i32
      %mul3A_42 = arith.constant 1280 : i32
      %mul3A_43 = arith.muli %add3A_41, %mul3A_42 : i32
      %dma_start3A_44 = tpu.memref_slice %arg2[%mul3A_2, %mul3A_43] : memref<256x160000xf32, #tpu.memory_space<hbm>> -> memref<8x1280xf32, #tpu.memory_space<hbm>>
      %dma_start3A_45 = tpu.memref_slice %arg2[%mul3A_2, %mul3A_43] : memref<256x160000xf32, #tpu.memory_space<hbm>> -> memref<8x1280xf32, #tpu.memory_space<hbm>>
      tpu.enqueue_dma source(%dma_start3A_45 : memref<8x1280xf32, #tpu.memory_space<hbm>>) target(%arg7 : memref<8x1280xf32, #tpu.memory_space<vmem>>) target_semaphore(%arg11 : memref<!tpu.dma_semaphore, #tpu.memory_space<semaphore_mem>>)
      %dma_start3A_46 = arith.constant 1 : i32
      %dma_start3A_47 = tpu.memref_slice %arg3[%dma_start3A_46, %mul3A_43] : memref<2x160000xi32, #tpu.memory_space<hbm>> -> memref<1x1280xi32, #tpu.memory_space<hbm>>
      %dma_start3A_48 = tpu.memref_squeeze %dma_start3A_47 : memref<1x1280xi32, #tpu.memory_space<hbm>> -> memref<1280xi32, #tpu.memory_space<hbm>>
      %dma_start3A_49 = tpu.memref_slice %arg3[%dma_start3A_46, %mul3A_43] : memref<2x160000xi32, #tpu.memory_space<hbm>> -> memref<1x1280xi32, #tpu.memory_space<hbm>>
      %dma_start3A_50 = tpu.memref_squeeze %dma_start3A_49 : memref<1x1280xi32, #tpu.memory_space<hbm>> -> memref<1280xi32, #tpu.memory_space<hbm>>
      tpu.enqueue_dma source(%dma_start3A_50 : memref<1280xi32, #tpu.memory_space<hbm>>) target(%arg9 : memref<1280xi32, #tpu.memory_space<vmem>>) target_semaphore(%arg11 : memref<!tpu.dma_semaphore, #tpu.memory_space<semaphore_mem>>)
      %mul3A_51 = arith.constant 1280 : i32
      %mul3A_52 = arith.muli %add3A_39, %mul3A_51 : i32
      %dma_wait3A_53 = tpu.memref_slice %arg2[%mul3A_2, %mul3A_52] : memref<256x160000xf32, #tpu.memory_space<hbm>> -> memref<8x1280xf32, #tpu.memory_space<hbm>>
      %dma_wait3A_54 = tpu.memref_slice %arg2[%mul3A_2, %mul3A_52] : memref<256x160000xf32, #tpu.memory_space<hbm>> -> memref<8x1280xf32, #tpu.memory_space<hbm>>
      tpu.wait_dma2 semaphore(%arg10 : memref<!tpu.dma_semaphore, #tpu.memory_space<semaphore_mem>>) src(%dma_wait3A_54 : memref<8x1280xf32, #tpu.memory_space<hbm>>) dst(%arg6 : memref<8x1280xf32, #tpu.memory_space<vmem>>)
      %dma_wait3A_55 = arith.constant 1 : i32
      %dma_wait3A_56 = tpu.memref_slice %arg3[%dma_wait3A_55, %mul3A_52] : memref<2x160000xi32, #tpu.memory_space<hbm>> -> memref<1x1280xi32, #tpu.memory_space<hbm>>
      %dma_wait3A_57 = tpu.memref_squeeze %dma_wait3A_56 : memref<1x1280xi32, #tpu.memory_space<hbm>> -> memref<1280xi32, #tpu.memory_space<hbm>>
      %dma_wait3A_58 = tpu.memref_slice %arg3[%dma_wait3A_55, %mul3A_52] : memref<2x160000xi32, #tpu.memory_space<hbm>> -> memref<1x1280xi32, #tpu.memory_space<hbm>>
      %dma_wait3A_59 = tpu.memref_squeeze %dma_wait3A_58 : memref<1x1280xi32, #tpu.memory_space<hbm>> -> memref<1280xi32, #tpu.memory_space<hbm>>
      tpu.wait_dma2 semaphore(%arg10 : memref<!tpu.dma_semaphore, #tpu.memory_space<semaphore_mem>>) src(%dma_wait3A_59 : memref<1280xi32, #tpu.memory_space<hbm>>) dst(%arg8 : memref<1280xi32, #tpu.memory_space<vmem>>)
      %parallel_loop3A_60 = arith.constant 0 : i32
      %parallel_loop3A_61 = arith.constant 80 : i32
      %parallel_loop3A_62 = arith.constant 1 : i32
      scf.for %parallel_loop3A_88 = %parallel_loop3A_60 to %parallel_loop3A_61 step %parallel_loop3A_62  : i32 {
        %parallel_loop3A_89 = arith.constant 16 : i32
        %parallel_loop3A_90 = arith.muli %parallel_loop3A_88, %parallel_loop3A_89 : i32
        %parallel_loop3A_91 = arith.index_cast %parallel_loop3A_90 : i32 to index
        %parallel_loop3A_92 = tpu.vector_load %arg8[%parallel_loop3A_91] {strides = array<i32>} : memref<1280xi32, #tpu.memory_space<vmem>>, vector<16xi32>,
        %parallel_loop3A_93 = arith.constant 0 : i32
        %parallel_loop3A_94 = vector.broadcast %parallel_loop3A_93 : i32 to vector<16xi32>
        %parallel_loop3A_95 = arith.constant 16 : i32
        %parallel_loop3A_96 = arith.muli %parallel_loop3A_88, %parallel_loop3A_95 : i32
        %parallel_loop3A_97 = arith.constant 0 : i32
        %parallel_loop3A_98 = arith.index_cast %parallel_loop3A_97 : i32 to index
        %parallel_loop3A_99 = arith.index_cast %parallel_loop3A_96 : i32 to index
        %parallel_loop3A_100 = tpu.vector_load %arg6[%parallel_loop3A_98, %parallel_loop3A_99] {strides = array<i32>} : memref<8x1280xf32, #tpu.memory_space<vmem>>, vector<16xf32>,
        tpu.vector_store_idx %arg5[%parallel_loop3A_94, %parallel_loop3A_92], %parallel_loop3A_100 {add = true} : memref<8x10240xf32, #tpu.memory_space<vmem>>[vector<16xi32>, vector<16xi32>], vector<16xf32>,
        %parallel_loop3A_101 = arith.constant 1 : i32
        %parallel_loop3A_102 = vector.broadcast %parallel_loop3A_101 : i32 to vector<16xi32>
        %parallel_loop3A_103 = arith.constant 16 : i32
        %parallel_loop3A_104 = arith.muli %parallel_loop3A_88, %parallel_loop3A_103 : i32
        %parallel_loop3A_105 = arith.constant 1 : i32
        %parallel_loop3A_106 = arith.index_cast %parallel_loop3A_105 : i32 to index
        %parallel_loop3A_107 = arith.index_cast %parallel_loop3A_104 : i32 to index
        %parallel_loop3A_108 = tpu.vector_load %arg6[%parallel_loop3A_106, %parallel_loop3A_107] {strides = array<i32>} : memref<8x1280xf32, #tpu.memory_space<vmem>>, vector<16xf32>,
        tpu.vector_store_idx %arg5[%parallel_loop3A_102, %parallel_loop3A_92], %parallel_loop3A_108 {add = true} : memref<8x10240xf32, #tpu.memory_space<vmem>>[vector<16xi32>, vector<16xi32>], vector<16xf32>,
        %parallel_loop3A_109 = arith.constant 2 : i32
        %parallel_loop3A_110 = vector.broadcast %parallel_loop3A_109 : i32 to vector<16xi32>
        %parallel_loop3A_111 = arith.constant 16 : i32
        %parallel_loop3A_112 = arith.muli %parallel_loop3A_88, %parallel_loop3A_111 : i32
        %parallel_loop3A_113 = arith.constant 2 : i32
        %parallel_loop3A_114 = arith.index_cast %parallel_loop3A_113 : i32 to index
        %parallel_loop3A_115 = arith.index_cast %parallel_loop3A_112 : i32 to index
        %parallel_loop3A_116 = tpu.vector_load %arg6[%parallel_loop3A_114, %parallel_loop3A_115] {strides = array<i32>} : memref<8x1280xf32, #tpu.memory_space<vmem>>, vector<16xf32>,
        tpu.vector_store_idx %arg5[%parallel_loop3A_110, %parallel_loop3A_92], %parallel_loop3A_116 {add = true} : memref<8x10240xf32, #tpu.memory_space<vmem>>[vector<16xi32>, vector<16xi32>], vector<16xf32>,
        %parallel_loop3A_117 = arith.constant 3 : i32
        %parallel_loop3A_118 = vector.broadcast %parallel_loop3A_117 : i32 to vector<16xi32>
        %parallel_loop3A_119 = arith.constant 16 : i32
        %parallel_loop3A_120 = arith.muli %parallel_loop3A_88, %parallel_loop3A_119 : i32
        %parallel_loop3A_121 = arith.constant 3 : i32
        %parallel_loop3A_122 = arith.index_cast %parallel_loop3A_121 : i32 to index
        %parallel_loop3A_123 = arith.index_cast %parallel_loop3A_120 : i32 to index
        %parallel_loop3A_124 = tpu.vector_load %arg6[%parallel_loop3A_122, %parallel_loop3A_123] {strides = array<i32>} : memref<8x1280xf32, #tpu.memory_space<vmem>>, vector<16xf32>,
        tpu.vector_store_idx %arg5[%parallel_loop3A_118, %parallel_loop3A_92], %parallel_loop3A_124 {add = true} : memref<8x10240xf32, #tpu.memory_space<vmem>>[vector<16xi32>, vector<16xi32>], vector<16xf32>,
        %parallel_loop3A_125 = arith.constant 4 : i32
        %parallel_loop3A_126 = vector.broadcast %parallel_loop3A_125 : i32 to vector<16xi32>
        %parallel_loop3A_127 = arith.constant 16 : i32
        %parallel_loop3A_128 = arith.muli %parallel_loop3A_88, %parallel_loop3A_127 : i32
        %parallel_loop3A_129 = arith.constant 4 : i32
        %parallel_loop3A_130 = arith.index_cast %parallel_loop3A_129 : i32 to index
        %parallel_loop3A_131 = arith.index_cast %parallel_loop3A_128 : i32 to index
        %parallel_loop3A_132 = tpu.vector_load %arg6[%parallel_loop3A_130, %parallel_loop3A_131] {strides = array<i32>} : memref<8x1280xf32, #tpu.memory_space<vmem>>, vector<16xf32>,
        tpu.vector_store_idx %arg5[%parallel_loop3A_126, %parallel_loop3A_92], %parallel_loop3A_132 {add = true} : memref<8x10240xf32, #tpu.memory_space<vmem>>[vector<16xi32>, vector<16xi32>], vector<16xf32>,
        %parallel_loop3A_133 = arith.constant 5 : i32
        %parallel_loop3A_134 = vector.broadcast %parallel_loop3A_133 : i32 to vector<16xi32>
        %parallel_loop3A_135 = arith.constant 16 : i32
        %parallel_loop3A_136 = arith.muli %parallel_loop3A_88, %parallel_loop3A_135 : i32
        %parallel_loop3A_137 = arith.constant 5 : i32
        %parallel_loop3A_138 = arith.index_cast %parallel_loop3A_137 : i32 to index
        %parallel_loop3A_139 = arith.index_cast %parallel_loop3A_136 : i32 to index
        %parallel_loop3A_140 = tpu.vector_load %arg6[%parallel_loop3A_138, %parallel_loop3A_139] {strides = array<i32>} : memref<8x1280xf32, #tpu.memory_space<vmem>>, vector<16xf32>,
        tpu.vector_store_idx %arg5[%parallel_loop3A_134, %parallel_loop3A_92], %parallel_loop3A_140 {add = true} : memref<8x10240xf32, #tpu.memory_space<vmem>>[vector<16xi32>, vector<16xi32>], vector<16xf32>,
        %parallel_loop3A_141 = arith.constant 6 : i32
        %parallel_loop3A_142 = vector.broadcast %parallel_loop3A_141 : i32 to vector<16xi32>
        %parallel_loop3A_143 = arith.constant 16 : i32
        %parallel_loop3A_144 = arith.muli %parallel_loop3A_88, %parallel_loop3A_143 : i32
        %parallel_loop3A_145 = arith.constant 6 : i32
        %parallel_loop3A_146 = arith.index_cast %parallel_loop3A_145 : i32 to index
        %parallel_loop3A_147 = arith.index_cast %parallel_loop3A_144 : i32 to index
        %parallel_loop3A_148 = tpu.vector_load %arg6[%parallel_loop3A_146, %parallel_loop3A_147] {strides = array<i32>} : memref<8x1280xf32, #tpu.memory_space<vmem>>, vector<16xf32>,
        tpu.vector_store_idx %arg5[%parallel_loop3A_142, %parallel_loop3A_92], %parallel_loop3A_148 {add = true} : memref<8x10240xf32, #tpu.memory_space<vmem>>[vector<16xi32>, vector<16xi32>], vector<16xf32>,
        %parallel_loop3A_149 = arith.constant 7 : i32
        %parallel_loop3A_150 = vector.broadcast %parallel_loop3A_149 : i32 to vector<16xi32>
        %parallel_loop3A_151 = arith.constant 16 : i32
        %parallel_loop3A_152 = arith.muli %parallel_loop3A_88, %parallel_loop3A_151 : i32
        %parallel_loop3A_153 = arith.constant 7 : i32
        %parallel_loop3A_154 = arith.index_cast %parallel_loop3A_153 : i32 to index
        %parallel_loop3A_155 = arith.index_cast %parallel_loop3A_152 : i32 to index
        %parallel_loop3A_156 = tpu.vector_load %arg6[%parallel_loop3A_154, %parallel_loop3A_155] {strides = array<i32>} : memref<8x1280xf32, #tpu.memory_space<vmem>>, vector<16xf32>,
        tpu.vector_store_idx %arg5[%parallel_loop3A_150, %parallel_loop3A_92], %parallel_loop3A_156 {add = true} : memref<8x10240xf32, #tpu.memory_space<vmem>>[vector<16xi32>, vector<16xi32>], vector<16xf32>,
      } {sc.loop_unroll_factor = 4 : i64, sc.parallel_access}
      %add3A_63 = arith.constant 2 : i32
      %add3A_64 = arith.addi %add3A_39, %add3A_63 : i32
      %mul3A_65 = arith.constant 1280 : i32
      %mul3A_66 = arith.muli %add3A_64, %mul3A_65 : i32
      %dma_start3A_67 = tpu.memref_slice %arg2[%mul3A_2, %mul3A_66] : memref<256x160000xf32, #tpu.memory_space<hbm>> -> memref<8x1280xf32, #tpu.memory_space<hbm>>
      %dma_start3A_68 = tpu.memref_slice %arg2[%mul3A_2, %mul3A_66] : memref<256x160000xf32, #tpu.memory_space<hbm>> -> memref<8x1280xf32, #tpu.memory_space<hbm>>
      tpu.enqueue_dma source(%dma_start3A_68 : memref<8x1280xf32, #tpu.memory_space<hbm>>) target(%arg6 : memref<8x1280xf32, #tpu.memory_space<vmem>>) target_semaphore(%arg10 : memref<!tpu.dma_semaphore, #tpu.memory_space<semaphore_mem>>)
      %dma_start3A_69 = arith.constant 1 : i32
      %dma_start3A_70 = tpu.memref_slice %arg3[%dma_start3A_69, %mul3A_66] : memref<2x160000xi32, #tpu.memory_space<hbm>> -> memref<1x1280xi32, #tpu.memory_space<hbm>>
      %dma_start3A_71 = tpu.memref_squeeze %dma_start3A_70 : memref<1x1280xi32, #tpu.memory_space<hbm>> -> memref<1280xi32, #tpu.memory_space<hbm>>
      %dma_start3A_72 = tpu.memref_slice %arg3[%dma_start3A_69, %mul3A_66] : memref<2x160000xi32, #tpu.memory_space<hbm>> -> memref<1x1280xi32, #tpu.memory_space<hbm>>
      %dma_start3A_73 = tpu.memref_squeeze %dma_start3A_72 : memref<1x1280xi32, #tpu.memory_space<hbm>> -> memref<1280xi32, #tpu.memory_space<hbm>>
      tpu.enqueue_dma source(%dma_start3A_73 : memref<1280xi32, #tpu.memory_space<hbm>>) target(%arg8 : memref<1280xi32, #tpu.memory_space<vmem>>) target_semaphore(%arg10 : memref<!tpu.dma_semaphore, #tpu.memory_space<semaphore_mem>>)
      %add3A_74 = arith.constant 1 : i32
      %add3A_75 = arith.addi %add3A_39, %add3A_74 : i32
      %mul3A_76 = arith.constant 1280 : i32
      %mul3A_77 = arith.muli %add3A_75, %mul3A_76 : i32
      %dma_wait3A_78 = tpu.memref_slice %arg2[%mul3A_2, %mul3A_77] : memref<256x160000xf32, #tpu.memory_space<hbm>> -> memref<8x1280xf32, #tpu.memory_space<hbm>>
      %dma_wait3A_79 = tpu.memref_slice %arg2[%mul3A_2, %mul3A_77] : memref<256x160000xf32, #tpu.memory_space<hbm>> -> memref<8x1280xf32, #tpu.memory_space<hbm>>
      tpu.wait_dma2 semaphore(%arg11 : memref<!tpu.dma_semaphore, #tpu.memory_space<semaphore_mem>>) src(%dma_wait3A_79 : memref<8x1280xf32, #tpu.memory_space<hbm>>) dst(%arg7 : memref<8x1280xf32, #tpu.memory_space<vmem>>)
      %dma_wait3A_80 = arith.constant 1 : i32
      %dma_wait3A_81 = tpu.memref_slice %arg3[%dma_wait3A_80, %mul3A_77] : memref<2x160000xi32, #tpu.memory_space<hbm>> -> memref<1x1280xi32, #tpu.memory_space<hbm>>
      %dma_wait3A_82 = tpu.memref_squeeze %dma_wait3A_81 : memref<1x1280xi32, #tpu.memory_space<hbm>> -> memref<1280xi32, #tpu.memory_space<hbm>>
      %dma_wait3A_83 = tpu.memref_slice %arg3[%dma_wait3A_80, %mul3A_77] : memref<2x160000xi32, #tpu.memory_space<hbm>> -> memref<1x1280xi32, #tpu.memory_space<hbm>>
      %dma_wait3A_84 = tpu.memref_squeeze %dma_wait3A_83 : memref<1x1280xi32, #tpu.memory_space<hbm>> -> memref<1280xi32, #tpu.memory_space<hbm>>
      tpu.wait_dma2 semaphore(%arg11 : memref<!tpu.dma_semaphore, #tpu.memory_space<semaphore_mem>>) src(%dma_wait3A_84 : memref<1280xi32, #tpu.memory_space<hbm>>) dst(%arg9 : memref<1280xi32, #tpu.memory_space<vmem>>)
      %parallel_loop3A_85 = arith.constant 0 : i32
      %parallel_loop3A_86 = arith.constant 80 : i32
      %parallel_loop3A_87 = arith.constant 1 : i32
      scf.for %parallel_loop3A_88 = %parallel_loop3A_85 to %parallel_loop3A_86 step %parallel_loop3A_87  : i32 {
        %parallel_loop3A_89 = arith.constant 16 : i32
        %parallel_loop3A_90 = arith.muli %parallel_loop3A_88, %parallel_loop3A_89 : i32
        %parallel_loop3A_91 = arith.index_cast %parallel_loop3A_90 : i32 to index
        %parallel_loop3A_92 = tpu.vector_load %arg9[%parallel_loop3A_91] {strides = array<i32>} : memref<1280xi32, #tpu.memory_space<vmem>>, vector<16xi32>,
        %parallel_loop3A_93 = arith.constant 0 : i32
        %parallel_loop3A_94 = vector.broadcast %parallel_loop3A_93 : i32 to vector<16xi32>
        %parallel_loop3A_95 = arith.constant 16 : i32
        %parallel_loop3A_96 = arith.muli %parallel_loop3A_88, %parallel_loop3A_95 : i32
        %parallel_loop3A_97 = arith.constant 0 : i32
        %parallel_loop3A_98 = arith.index_cast %parallel_loop3A_97 : i32 to index
        %parallel_loop3A_99 = arith.index_cast %parallel_loop3A_96 : i32 to index
        %parallel_loop3A_100 = tpu.vector_load %arg7[%parallel_loop3A_98, %parallel_loop3A_99] {strides = array<i32>} : memref<8x1280xf32, #tpu.memory_space<vmem>>, vector<16xf32>,
        tpu.vector_store_idx %arg5[%parallel_loop3A_94, %parallel_loop3A_92], %parallel_loop3A_100 {add = true} : memref<8x10240xf32, #tpu.memory_space<vmem>>[vector<16xi32>, vector<16xi32>], vector<16xf32>,
        %parallel_loop3A_101 = arith.constant 1 : i32
        %parallel_loop3A_102 = vector.broadcast %parallel_loop3A_101 : i32 to vector<16xi32>
        %parallel_loop3A_103 = arith.constant 16 : i32
        %parallel_loop3A_104 = arith.muli %parallel_loop3A_88, %parallel_loop3A_103 : i32
        %parallel_loop3A_105 = arith.constant 1 : i32
        %parallel_loop3A_106 = arith.index_cast %parallel_loop3A_105 : i32 to index
        %parallel_loop3A_107 = arith.index_cast %parallel_loop3A_104 : i32 to index
        %parallel_loop3A_108 = tpu.vector_load %arg7[%parallel_loop3A_106, %parallel_loop3A_107] {strides = array<i32>} : memref<8x1280xf32, #tpu.memory_space<vmem>>, vector<16xf32>,
        tpu.vector_store_idx %arg5[%parallel_loop3A_102, %parallel_loop3A_92], %parallel_loop3A_108 {add = true} : memref<8x10240xf32, #tpu.memory_space<vmem>>[vector<16xi32>, vector<16xi32>], vector<16xf32>,
        %parallel_loop3A_109 = arith.constant 2 : i32
        %parallel_loop3A_110 = vector.broadcast %parallel_loop3A_109 : i32 to vector<16xi32>
        %parallel_loop3A_111 = arith.constant 16 : i32
        %parallel_loop3A_112 = arith.muli %parallel_loop3A_88, %parallel_loop3A_111 : i32
        %parallel_loop3A_113 = arith.constant 2 : i32
        %parallel_loop3A_114 = arith.index_cast %parallel_loop3A_113 : i32 to index
        %parallel_loop3A_115 = arith.index_cast %parallel_loop3A_112 : i32 to index
        %parallel_loop3A_116 = tpu.vector_load %arg7[%parallel_loop3A_114, %parallel_loop3A_115] {strides = array<i32>} : memref<8x1280xf32, #tpu.memory_space<vmem>>, vector<16xf32>,
        tpu.vector_store_idx %arg5[%parallel_loop3A_110, %parallel_loop3A_92], %parallel_loop3A_116 {add = true} : memref<8x10240xf32, #tpu.memory_space<vmem>>[vector<16xi32>, vector<16xi32>], vector<16xf32>,
        %parallel_loop3A_117 = arith.constant 3 : i32
        %parallel_loop3A_118 = vector.broadcast %parallel_loop3A_117 : i32 to vector<16xi32>
        %parallel_loop3A_119 = arith.constant 16 : i32
        %parallel_loop3A_120 = arith.muli %parallel_loop3A_88, %parallel_loop3A_119 : i32
        %parallel_loop3A_121 = arith.constant 3 : i32
        %parallel_loop3A_122 = arith.index_cast %parallel_loop3A_121 : i32 to index
        %parallel_loop3A_123 = arith.index_cast %parallel_loop3A_120 : i32 to index
        %parallel_loop3A_124 = tpu.vector_load %arg7[%parallel_loop3A_122, %parallel_loop3A_123] {strides = array<i32>} : memref<8x1280xf32, #tpu.memory_space<vmem>>, vector<16xf32>,
        tpu.vector_store_idx %arg5[%parallel_loop3A_118, %parallel_loop3A_92], %parallel_loop3A_124 {add = true} : memref<8x10240xf32, #tpu.memory_space<vmem>>[vector<16xi32>, vector<16xi32>], vector<16xf32>,
        %parallel_loop3A_125 = arith.constant 4 : i32
        %parallel_loop3A_126 = vector.broadcast %parallel_loop3A_125 : i32 to vector<16xi32>
        %parallel_loop3A_127 = arith.constant 16 : i32
        %parallel_loop3A_128 = arith.muli %parallel_loop3A_88, %parallel_loop3A_127 : i32
        %parallel_loop3A_129 = arith.constant 4 : i32
        %parallel_loop3A_130 = arith.index_cast %parallel_loop3A_129 : i32 to index
        %parallel_loop3A_131 = arith.index_cast %parallel_loop3A_128 : i32 to index
        %parallel_loop3A_132 = tpu.vector_load %arg7[%parallel_loop3A_130, %parallel_loop3A_131] {strides = array<i32>} : memref<8x1280xf32, #tpu.memory_space<vmem>>, vector<16xf32>,
        tpu.vector_store_idx %arg5[%parallel_loop3A_126, %parallel_loop3A_92], %parallel_loop3A_132 {add = true} : memref<8x10240xf32, #tpu.memory_space<vmem>>[vector<16xi32>, vector<16xi32>], vector<16xf32>,
        %parallel_loop3A_133 = arith.constant 5 : i32
        %parallel_loop3A_134 = vector.broadcast %parallel_loop3A_133 : i32 to vector<16xi32>
        %parallel_loop3A_135 = arith.constant 16 : i32
        %parallel_loop3A_136 = arith.muli %parallel_loop3A_88, %parallel_loop3A_135 : i32
        %parallel_loop3A_137 = arith.constant 5 : i32
        %parallel_loop3A_138 = arith.index_cast %parallel_loop3A_137 : i32 to index
        %parallel_loop3A_139 = arith.index_cast %parallel_loop3A_136 : i32 to index
        %parallel_loop3A_140 = tpu.vector_load %arg7[%parallel_loop3A_138, %parallel_loop3A_139] {strides = array<i32>} : memref<8x1280xf32, #tpu.memory_space<vmem>>, vector<16xf32>,
        tpu.vector_store_idx %arg5[%parallel_loop3A_134, %parallel_loop3A_92], %parallel_loop3A_140 {add = true} : memref<8x10240xf32, #tpu.memory_space<vmem>>[vector<16xi32>, vector<16xi32>], vector<16xf32>,
        %parallel_loop3A_141 = arith.constant 6 : i32
        %parallel_loop3A_142 = vector.broadcast %parallel_loop3A_141 : i32 to vector<16xi32>
        %parallel_loop3A_143 = arith.constant 16 : i32
        %parallel_loop3A_144 = arith.muli %parallel_loop3A_88, %parallel_loop3A_143 : i32
        %parallel_loop3A_145 = arith.constant 6 : i32
        %parallel_loop3A_146 = arith.index_cast %parallel_loop3A_145 : i32 to index
        %parallel_loop3A_147 = arith.index_cast %parallel_loop3A_144 : i32 to index
        %parallel_loop3A_148 = tpu.vector_load %arg7[%parallel_loop3A_146, %parallel_loop3A_147] {strides = array<i32>} : memref<8x1280xf32, #tpu.memory_space<vmem>>, vector<16xf32>,
        tpu.vector_store_idx %arg5[%parallel_loop3A_142, %parallel_loop3A_92], %parallel_loop3A_148 {add = true} : memref<8x10240xf32, #tpu.memory_space<vmem>>[vector<16xi32>, vector<16xi32>], vector<16xf32>,
        %parallel_loop3A_149 = arith.constant 7 : i32
        %parallel_loop3A_150 = vector.broadcast %parallel_loop3A_149 : i32 to vector<16xi32>
        %parallel_loop3A_151 = arith.constant 16 : i32
        %parallel_loop3A_152 = arith.muli %parallel_loop3A_88, %parallel_loop3A_151 : i32
        %parallel_loop3A_153 = arith.constant 7 : i32
        %parallel_loop3A_154 = arith.index_cast %parallel_loop3A_153 : i32 to index
        %parallel_loop3A_155 = arith.index_cast %parallel_loop3A_152 : i32 to index
        %parallel_loop3A_156 = tpu.vector_load %arg7[%parallel_loop3A_154, %parallel_loop3A_155] {strides = array<i32>} : memref<8x1280xf32, #tpu.memory_space<vmem>>, vector<16xf32>,
        tpu.vector_store_idx %arg5[%parallel_loop3A_150, %parallel_loop3A_92], %parallel_loop3A_156 {add = true} : memref<8x10240xf32, #tpu.memory_space<vmem>>[vector<16xi32>, vector<16xi32>], vector<16xf32>,
      } {sc.loop_unroll_factor = 4 : i64, sc.parallel_access}
    }
    %scan3A_22 = arith.constant 62 : i32
    %dma_wait3A = arith.constant 158720 : i32
    %dma_wait3A_23 = tpu.memref_slice %arg2[%mul3A_2, %dma_wait3A] : memref<256x160000xf32, #tpu.memory_space<hbm>> -> memref<8x1280xf32, #tpu.memory_space<hbm>>
    %dma_wait3A_24 = arith.constant 158720 : i32
    %dma_wait3A_25 = tpu.memref_slice %arg2[%mul3A_2, %dma_wait3A_24] : memref<256x160000xf32, #tpu.memory_space<hbm>> -> memref<8x1280xf32, #tpu.memory_space<hbm>>
    tpu.wait_dma2 semaphore(%arg10 : memref<!tpu.dma_semaphore, #tpu.memory_space<semaphore_mem>>) src(%dma_wait3A_25 : memref<8x1280xf32, #tpu.memory_space<hbm>>) dst(%arg6 : memref<8x1280xf32, #tpu.memory_space<vmem>>)
    %dma_wait3A_26 = arith.constant 1 : i32
    %dma_wait3A_27 = arith.constant 158720 : i32
    %dma_wait3A_28 = tpu.memref_slice %arg3[%dma_wait3A_26, %dma_wait3A_27] : memref<2x160000xi32, #tpu.memory_space<hbm>> -> memref<1x1280xi32, #tpu.memory_space<hbm>>
    %dma_wait3A_29 = tpu.memref_squeeze %dma_wait3A_28 : memref<1x1280xi32, #tpu.memory_space<hbm>> -> memref<1280xi32, #tpu.memory_space<hbm>>
    %dma_wait3A_30 = arith.constant 158720 : i32
    %dma_wait3A_31 = tpu.memref_slice %arg3[%dma_wait3A_26, %dma_wait3A_30] : memref<2x160000xi32, #tpu.memory_space<hbm>> -> memref<1x1280xi32, #tpu.memory_space<hbm>>
    %dma_wait3A_32 = tpu.memref_squeeze %dma_wait3A_31 : memref<1x1280xi32, #tpu.memory_space<hbm>> -> memref<1280xi32, #tpu.memory_space<hbm>>
    tpu.wait_dma2 semaphore(%arg10 : memref<!tpu.dma_semaphore, #tpu.memory_space<semaphore_mem>>) src(%dma_wait3A_32 : memref<1280xi32, #tpu.memory_space<hbm>>) dst(%arg8 : memref<1280xi32, #tpu.memory_space<vmem>>)
    %parallel_loop3A = arith.constant 0 : i32
    %parallel_loop3A_33 = arith.constant 80 : i32
    %parallel_loop3A_34 = arith.constant 1 : i32
    scf.for %parallel_loop3A_35 = %parallel_loop3A to %parallel_loop3A_33 step %parallel_loop3A_34  : i32 {
      %parallel_loop3A_36 = arith.constant 16 : i32
      %parallel_loop3A_37 = arith.muli %parallel_loop3A_35, %parallel_loop3A_36 : i32
      %parallel_loop3A_38 = arith.index_cast %parallel_loop3A_37 : i32 to index
      %parallel_loop3A_39 = tpu.vector_load %arg8[%parallel_loop3A_38] {strides = array<i32>} : memref<1280xi32, #tpu.memory_space<vmem>>, vector<16xi32>,
      %parallel_loop3A_40 = arith.constant 0 : i32
      %parallel_loop3A_41 = vector.broadcast %parallel_loop3A_40 : i32 to vector<16xi32>
      %parallel_loop3A_42 = arith.constant 16 : i32
      %parallel_loop3A_43 = arith.muli %parallel_loop3A_35, %parallel_loop3A_42 : i32
      %parallel_loop3A_44 = arith.constant 0 : i32
      %parallel_loop3A_45 = arith.index_cast %parallel_loop3A_44 : i32 to index
      %parallel_loop3A_46 = arith.index_cast %parallel_loop3A_43 : i32 to index
      %parallel_loop3A_47 = tpu.vector_load %arg6[%parallel_loop3A_45, %parallel_loop3A_46] {strides = array<i32>} : memref<8x1280xf32, #tpu.memory_space<vmem>>, vector<16xf32>,
      tpu.vector_store_idx %arg5[%parallel_loop3A_41, %parallel_loop3A_39], %parallel_loop3A_47 {add = true} : memref<8x10240xf32, #tpu.memory_space<vmem>>[vector<16xi32>, vector<16xi32>], vector<16xf32>,
      %parallel_loop3A_48 = arith.constant 1 : i32
      %parallel_loop3A_49 = vector.broadcast %parallel_loop3A_48 : i32 to vector<16xi32>
      %parallel_loop3A_50 = arith.constant 16 : i32
      %parallel_loop3A_51 = arith.muli %parallel_loop3A_35, %parallel_loop3A_50 : i32
      %parallel_loop3A_52 = arith.constant 1 : i32
      %parallel_loop3A_53 = arith.index_cast %parallel_loop3A_52 : i32 to index
      %parallel_loop3A_54 = arith.index_cast %parallel_loop3A_51 : i32 to index
      %parallel_loop3A_55 = tpu.vector_load %arg6[%parallel_loop3A_53, %parallel_loop3A_54] {strides = array<i32>} : memref<8x1280xf32, #tpu.memory_space<vmem>>, vector<16xf32>,
      tpu.vector_store_idx %arg5[%parallel_loop3A_49, %parallel_loop3A_39], %parallel_loop3A_55 {add = true} : memref<8x10240xf32, #tpu.memory_space<vmem>>[vector<16xi32>, vector<16xi32>], vector<16xf32>,
      %parallel_loop3A_56 = arith.constant 2 : i32
      %parallel_loop3A_57 = vector.broadcast %parallel_loop3A_56 : i32 to vector<16xi32>
      %parallel_loop3A_58 = arith.constant 16 : i32
      %parallel_loop3A_59 = arith.muli %parallel_loop3A_35, %parallel_loop3A_58 : i32
      %parallel_loop3A_60 = arith.constant 2 : i32
      %parallel_loop3A_61 = arith.index_cast %parallel_loop3A_60 : i32 to index
      %parallel_loop3A_62 = arith.index_cast %parallel_loop3A_59 : i32 to index
      %parallel_loop3A_63 = tpu.vector_load %arg6[%parallel_loop3A_61, %parallel_loop3A_62] {strides = array<i32>} : memref<8x1280xf32, #tpu.memory_space<vmem>>, vector<16xf32>,
      tpu.vector_store_idx %arg5[%parallel_loop3A_57, %parallel_loop3A_39], %parallel_loop3A_63 {add = true} : memref<8x10240xf32, #tpu.memory_space<vmem>>[vector<16xi32>, vector<16xi32>], vector<16xf32>,
      %parallel_loop3A_64 = arith.constant 3 : i32
      %parallel_loop3A_65 = vector.broadcast %parallel_loop3A_64 : i32 to vector<16xi32>
      %parallel_loop3A_66 = arith.constant 16 : i32
      %parallel_loop3A_67 = arith.muli %parallel_loop3A_35, %parallel_loop3A_66 : i32
      %parallel_loop3A_68 = arith.constant 3 : i32
      %parallel_loop3A_69 = arith.index_cast %parallel_loop3A_68 : i32 to index
      %parallel_loop3A_70 = arith.index_cast %parallel_loop3A_67 : i32 to index
      %parallel_loop3A_71 = tpu.vector_load %arg6[%parallel_loop3A_69, %parallel_loop3A_70] {strides = array<i32>} : memref<8x1280xf32, #tpu.memory_space<vmem>>, vector<16xf32>,
      tpu.vector_store_idx %arg5[%parallel_loop3A_65, %parallel_loop3A_39], %parallel_loop3A_71 {add = true} : memref<8x10240xf32, #tpu.memory_space<vmem>>[vector<16xi32>, vector<16xi32>], vector<16xf32>,
      %parallel_loop3A_72 = arith.constant 4 : i32
      %parallel_loop3A_73 = vector.broadcast %parallel_loop3A_72 : i32 to vector<16xi32>
      %parallel_loop3A_74 = arith.constant 16 : i32
      %parallel_loop3A_75 = arith.muli %parallel_loop3A_35, %parallel_loop3A_74 : i32
      %parallel_loop3A_76 = arith.constant 4 : i32
      %parallel_loop3A_77 = arith.index_cast %parallel_loop3A_76 : i32 to index
      %parallel_loop3A_78 = arith.index_cast %parallel_loop3A_75 : i32 to index
      %parallel_loop3A_79 = tpu.vector_load %arg6[%parallel_loop3A_77, %parallel_loop3A_78] {strides = array<i32>} : memref<8x1280xf32, #tpu.memory_space<vmem>>, vector<16xf32>,
      tpu.vector_store_idx %arg5[%parallel_loop3A_73, %parallel_loop3A_39], %parallel_loop3A_79 {add = true} : memref<8x10240xf32, #tpu.memory_space<vmem>>[vector<16xi32>, vector<16xi32>], vector<16xf32>,
      %parallel_loop3A_80 = arith.constant 5 : i32
      %parallel_loop3A_81 = vector.broadcast %parallel_loop3A_80 : i32 to vector<16xi32>
      %parallel_loop3A_82 = arith.constant 16 : i32
      %parallel_loop3A_83 = arith.muli %parallel_loop3A_35, %parallel_loop3A_82 : i32
      %parallel_loop3A_84 = arith.constant 5 : i32
      %parallel_loop3A_85 = arith.index_cast %parallel_loop3A_84 : i32 to index
      %parallel_loop3A_86 = arith.index_cast %parallel_loop3A_83 : i32 to index
      %parallel_loop3A_87 = tpu.vector_load %arg6[%parallel_loop3A_85, %parallel_loop3A_86] {strides = array<i32>} : memref<8x1280xf32, #tpu.memory_space<vmem>>, vector<16xf32>,
      tpu.vector_store_idx %arg5[%parallel_loop3A_81, %parallel_loop3A_39], %parallel_loop3A_87 {add = true} : memref<8x10240xf32, #tpu.memory_space<vmem>>[vector<16xi32>, vector<16xi32>], vector<16xf32>,
      %parallel_loop3A_88 = arith.constant 6 : i32
      %parallel_loop3A_89 = vector.broadcast %parallel_loop3A_88 : i32 to vector<16xi32>
      %parallel_loop3A_90 = arith.constant 16 : i32
      %parallel_loop3A_91 = arith.muli %parallel_loop3A_35, %parallel_loop3A_90 : i32
      %parallel_loop3A_92 = arith.constant 6 : i32
      %parallel_loop3A_93 = arith.index_cast %parallel_loop3A_92 : i32 to index
      %parallel_loop3A_94 = arith.index_cast %parallel_loop3A_91 : i32 to index
      %parallel_loop3A_95 = tpu.vector_load %arg6[%parallel_loop3A_93, %parallel_loop3A_94] {strides = array<i32>} : memref<8x1280xf32, #tpu.memory_space<vmem>>, vector<16xf32>,
      tpu.vector_store_idx %arg5[%parallel_loop3A_89, %parallel_loop3A_39], %parallel_loop3A_95 {add = true} : memref<8x10240xf32, #tpu.memory_space<vmem>>[vector<16xi32>, vector<16xi32>], vector<16xf32>,
      %parallel_loop3A_96 = arith.constant 7 : i32
      %parallel_loop3A_97 = vector.broadcast %parallel_loop3A_96 : i32 to vector<16xi32>
      %parallel_loop3A_98 = arith.constant 16 : i32
      %parallel_loop3A_99 = arith.muli %parallel_loop3A_35, %parallel_loop3A_98 : i32
      %parallel_loop3A_100 = arith.constant 7 : i32
      %parallel_loop3A_101 = arith.index_cast %parallel_loop3A_100 : i32 to index
      %parallel_loop3A_102 = arith.index_cast %parallel_loop3A_99 : i32 to index
      %parallel_loop3A_103 = tpu.vector_load %arg6[%parallel_loop3A_101, %parallel_loop3A_102] {strides = array<i32>} : memref<8x1280xf32, #tpu.memory_space<vmem>>, vector<16xf32>,
      tpu.vector_store_idx %arg5[%parallel_loop3A_97, %parallel_loop3A_39], %parallel_loop3A_103 {add = true} : memref<8x10240xf32, #tpu.memory_space<vmem>>[vector<16xi32>, vector<16xi32>], vector<16xf32>,
    } {sc.loop_unroll_factor = 4 : i64, sc.parallel_access}
    "tpu.region"() ({
      %run_scoped3A = tpu.sem_alloc : memref<!tpu.dma_semaphore, #tpu.memory_space<semaphore_mem>>
      %dma_start3A_35 = arith.constant 0 : i32
      %dma_start3A_36 = tpu.memref_slice %arg4[%mul3A_2, %dma_start3A_35] : memref<256x10240xf32, #tpu.memory_space<hbm>> -> memref<8x10240xf32, #tpu.memory_space<hbm>>
      %dma_start3A_37 = arith.constant 0 : i32
      %dma_start3A_38 = tpu.memref_slice %arg4[%mul3A_2, %dma_start3A_37] : memref<256x10240xf32, #tpu.memory_space<hbm>> -> memref<8x10240xf32, #tpu.memory_space<hbm>>
      tpu.enqueue_dma source(%arg5 : memref<8x10240xf32, #tpu.memory_space<vmem>>) target(%dma_start3A_38 : memref<8x10240xf32, #tpu.memory_space<hbm>>) target_semaphore(%run_scoped3A : memref<!tpu.dma_semaphore, #tpu.memory_space<semaphore_mem>>)
      %dma_wait3A_39 = arith.constant 0 : i32
      %dma_wait3A_40 = tpu.memref_slice %arg4[%mul3A_2, %dma_wait3A_39] : memref<256x10240xf32, #tpu.memory_space<hbm>> -> memref<8x10240xf32, #tpu.memory_space<hbm>>
      %dma_wait3A_41 = arith.constant 0 : i32
      %dma_wait3A_42 = tpu.memref_slice %arg4[%mul3A_2, %dma_wait3A_41] : memref<256x10240xf32, #tpu.memory_space<hbm>> -> memref<8x10240xf32, #tpu.memory_space<hbm>>
      tpu.wait_dma2 semaphore(%run_scoped3A : memref<!tpu.dma_semaphore, #tpu.memory_space<semaphore_mem>>) src(%arg5 : memref<8x10240xf32, #tpu.memory_space<vmem>>) dst(%dma_wait3A_42 : memref<8x10240xf32, #tpu.memory_space<hbm>>)
      tpu.yield
    }) : () -> ()
    return
  }
}

module attributes {stable_mosaic.version = 14 : i64} {
  func.func @_transpose_body(%arg0: i32, %arg1: memref<256x1024xf32, #tpu.memory_space<vmem>>, %arg2: memref<1024x256xf32, #tpu.memory_space<vmem>>) attributes {dimension_semantics = [#tpu.dimension_semantics<parallel>], iteration_bounds = array<i64: 10>, scalar_prefetch = 0 : i64, scratch_operands = 0 : i64, tpu.core_type = #tpu.core_type<tc>, window_params = [{transform_indices = @transform_0, window_bounds = array<i64: 256, 1024>}, {transform_indices = @transform_1, window_bounds = array<i64: 1024, 256>}]} {
    %get3A = arith.constant 0 : index
    %get3A_0 = arith.constant 0 : index
    %get3A_1 = vector.load %arg1[%get3A, %get3A_0] : memref<256x1024xf32, #tpu.memory_space<vmem>>, vector<256x1024xf32>
    %transpose3A = tpu.transpose %get3A_1, [1, 0] : vector<256x1024xf32> -> vector<1024x256xf32>
    %swap3A = arith.constant 0 : index
    %swap3A_2 = arith.constant 0 : index
    %swap3A_3 = vector.load %arg2[%swap3A, %swap3A_2] : memref<1024x256xf32, #tpu.memory_space<vmem>>, vector<1024x256xf32>
    tpu.vector_store %arg2[%swap3A, %swap3A_2], %transpose3A {strides = array<i32>} : memref<1024x256xf32, #tpu.memory_space<vmem>>, vector<1024x256xf32>,
    return
  }
  func.func @transform_0(%arg0: i32) -> (i32, i32) {
    %c0_i32 = arith.constant 0 : i32
    %c0_i32_0 = arith.constant 0 : i32
    return %c0_i32, %arg0 : i32, i32
  }
  func.func @transform_1(%arg0: i32) -> (i32, i32) {
    %c0_i32 = arith.constant 0 : i32
    %c0_i32_0 = arith.constant 0 : i32
    return %arg0, %c0_i32 : i32, i32
  }
}

module attributes {stable_mosaic.version = 14 : i64} {
  func.func @_mlp_body(%arg0: i32, %arg1: memref<1000x128xf32, #tpu.memory_space<vmem>>, %arg2: memref<1000x128xf32, #tpu.memory_space<vmem>>, %arg3: memref<1000x256xf32, #tpu.memory_space<vmem>>, %arg4: memref<256x128xf32, #tpu.memory_space<vmem>>, %arg5: memref<256x128xf32, #tpu.memory_space<vmem>>, %arg6: memref<1x256xf32, #tpu.memory_space<vmem>>, %arg7: memref<256x256xf32, #tpu.memory_space<vmem>>, %arg8: memref<1x256xf32, #tpu.memory_space<vmem>>, %arg9: memref<1000x256xf32, #tpu.memory_space<vmem>>) attributes {dimension_semantics = [#tpu.dimension_semantics<parallel>], iteration_bounds = array<i64: 10>, scalar_prefetch = 0 : i64, scratch_operands = 0 : i64, tpu.core_type = #tpu.core_type<tc>, window_params = [{transform_indices = @transform_0, window_bounds = array<i64: 1000, 128>}, {transform_indices = @transform_1, window_bounds = array<i64: 1000, 128>}, {transform_indices = @transform_2, window_bounds = array<i64: 1000, 256>}, {pipeline_mode = #tpu.pipeline_mode<synchronous>, transform_indices = @transform_3, window_bounds = array<i64: 256, 128>}, {pipeline_mode = #tpu.pipeline_mode<synchronous>, transform_indices = @transform_4, window_bounds = array<i64: 256, 128>}, {pipeline_mode = #tpu.pipeline_mode<synchronous>, transform_indices = @transform_5, window_bounds = array<i64: 1, 256>}, {pipeline_mode = #tpu.pipeline_mode<synchronous>, transform_indices = @transform_6, window_bounds = array<i64: 256, 256>}, {pipeline_mode = #tpu.pipeline_mode<synchronous>, transform_indices = @transform_7, window_bounds = array<i64: 1, 256>}, {transform_indices = @transform_8, window_bounds = array<i64: 1000, 256>}]} {
    %get3A = arith.constant 0 : index
    %get3A_0 = arith.constant 0 : index
    %get3A_1 = vector.load %arg1[%get3A, %get3A_0] : memref<1000x128xf32, #tpu.memory_space<vmem>>, vector<1000x128xf32>
    %get3A_2 = arith.constant 0 : index
    %get3A_3 = arith.constant 0 : index
    %get3A_4 = vector.load %arg4[%get3A_2, %get3A_3] : memref<256x128xf32, #tpu.memory_space<vmem>>, vector<256x128xf32>
    %dot_general3A = arith.constant dense<0.000000e+00> : vector<1000x256xf32>
    %dot_general3A_5 = tpu.matmul %get3A_1, %get3A_4, %dot_general3A {dimension_numbers = #tpu.dot_dimension_numbers<[1], [1], [0], [0], [0, 0, 1, 0], [], []>, transpose_lhs_hint = false} : vector<1000x128xf32>, vector<256x128xf32>, vector<1000x256xf32> -> vector<1000x256xf32>
    %get3A_6 = arith.constant 0 : index
    %get3A_7 = arith.constant 0 : index
    %get3A_8 = vector.load %arg2[%get3A_6, %get3A_7] : memref<1000x128xf32, #tpu.memory_space<vmem>>, vector<1000x128xf32>
    %get3A_9 = arith.constant 0 : index
    %get3A_10 = arith.constant 0 : index
    %get3A_11 = vector.load %arg5[%get3A_9, %get3A_10] : memref<256x128xf32, #tpu.memory_space<vmem>>, vector<256x128xf32>
    %dot_general3A_12 = arith.constant dense<0.000000e+00> : vector<1000x256xf32>
    %dot_general3A_13 = tpu.matmul %get3A_8, %get3A_11, %dot_general3A_12 {dimension_numbers = #tpu.dot_dimension_numbers<[1], [1], [0], [0], [0, 0, 1, 0], [], []>, transpose_lhs_hint = false} : vector<1000x128xf32>, vector<256x128xf32>, vector<1000x256xf32> -> vector<1000x256xf32>
    %add3A = arith.addf %dot_general3A_5, %dot_general3A_13 : vector<1000x256xf32>
    %get3A_14 = arith.constant 0 : index
    %get3A_15 = arith.constant 0 : index
    %get3A_16 = vector.load %arg6[%get3A_14, %get3A_15] : memref<1x256xf32, #tpu.memory_space<vmem>>, vector<1x256xf32>
    %add3A_17 = vector.broadcast %get3A_16 : vector<1x256xf32> to vector<1000x256xf32>
    %add3A_18 = arith.addf %add3A, %add3A_17 : vector<1000x256xf32>
    %custom_jvp_call3A = arith.constant 0.000000e+00 : f32
    %max3A = vector.broadcast %custom_jvp_call3A : f32 to vector<1000x256xf32>
    %max3A_19 = arith.maximumf %add3A_18, %max3A : vector<1000x256xf32>
    %sub3A = vector.broadcast %custom_jvp_call3A : f32 to vector<1000x256xf32>
    %sub3A_20 = arith.subf %add3A_18, %sub3A : vector<1000x256xf32>
    %ne3A = arith.cmpf one, %sub3A_20, %sub3A_20 : vector<1000x256xf32>
    %add3A_21 = vector.broadcast %custom_jvp_call3A : f32 to vector<1000x256xf32>
    %add3A_22 = arith.addf %add3A_18, %add3A_21 : vector<1000x256xf32>
    %abs3A = math.absf %sub3A_20 : vector<1000x256xf32>
    %neg3A = arith.constant 0.000000e+00 : f32
    %neg3A_23 = vector.broadcast %neg3A : f32 to vector<1000x256xf32>
    %neg3A_24 = arith.subf %neg3A_23, %abs3A : vector<1000x256xf32>
    %exp3A = math.exp %neg3A_24 : vector<1000x256xf32>
    %log1p3A = math.log1p %exp3A : vector<1000x256xf32>
    %add3A_25 = arith.addf %max3A_19, %log1p3A : vector<1000x256xf32>
    %select_n3A = arith.select %ne3A, %add3A_22, %add3A_25 : vector<1000x256xi1>, vector<1000x256xf32>
    %sub3A_26 = arith.constant 0.693147182 : f32
    %sub3A_27 = vector.broadcast %sub3A_26 : f32 to vector<1000x256xf32>
    %sub3A_28 = arith.subf %select_n3A, %sub3A_27 : vector<1000x256xf32>
    %get3A_29 = arith.constant 0 : index
    %get3A_30 = arith.constant 0 : index
    %get3A_31 = vector.load %arg7[%get3A_29, %get3A_30] : memref<256x256xf32, #tpu.memory_space<vmem>>, vector<256x256xf32>
    %dot_general3A_32 = arith.constant dense<0.000000e+00> : vector<1000x256xf32>
    %dot_general3A_33 = tpu.matmul %sub3A_28, %get3A_31, %dot_general3A_32 {dimension_numbers = #tpu.dot_dimension_numbers<[1], [1], [0], [0], [0, 0, 1, 0], [], []>, transpose_lhs_hint = false} : vector<1000x256xf32>, vector<256x256xf32>, vector<1000x256xf32> -> vector<1000x256xf32>
    %get3A_34 = arith.constant 0 : index
    %get3A_35 = arith.constant 0 : index
    %get3A_36 = vector.load %arg8[%get3A_34, %get3A_35] : memref<1x256xf32, #tpu.memory_space<vmem>>, vector<1x256xf32>
    %add3A_37 = vector.broadcast %get3A_36 : vector<1x256xf32> to vector<1000x256xf32>
    %add3A_38 = arith.addf %dot_general3A_33, %add3A_37 : vector<1000x256xf32>
    %get3A_39 = arith.constant 0 : index
    %get3A_40 = arith.constant 0 : index
    %get3A_41 = vector.load %arg3[%get3A_39, %get3A_40] : memref<1000x256xf32, #tpu.memory_space<vmem>>, vector<1000x256xf32>
    %add3A_42 = arith.addf %add3A_38, %get3A_41 : vector<1000x256xf32>
    %swap3A = arith.constant 0 : index
    %swap3A_43 = arith.constant 0 : index
    %swap3A_44 = vector.load %arg9[%swap3A, %swap3A_43] : memref<1000x256xf32, #tpu.memory_space<vmem>>, vector<1000x256xf32>
    tpu.vector_store %arg9[%swap3A, %swap3A_43], %add3A_42 {strides = array<i32>} : memref<1000x256xf32, #tpu.memory_space<vmem>>, vector<1000x256xf32>,
    return
  }
  func.func @transform_0(%arg0: i32) -> (i32, i32) {
    %c0_i32 = arith.constant 0 : i32
    %c0_i32_0 = arith.constant 0 : i32
    return %arg0, %c0_i32 : i32, i32
  }
  func.func @transform_1(%arg0: i32) -> (i32, i32) {
    %c1_i32 = arith.constant 1 : i32
    %c0_i32 = arith.constant 0 : i32
    return %arg0, %c1_i32 : i32, i32
  }
  func.func @transform_2(%arg0: i32) -> (i32, i32) {
    %c0_i32 = arith.constant 0 : i32
    %c0_i32_0 = arith.constant 0 : i32
    return %arg0, %c0_i32 : i32, i32
  }
  func.func @transform_3(%arg0: i32) -> (i32, i32) {
    %c0_i32 = arith.constant 0 : i32
    %c0_i32_0 = arith.constant 0 : i32
    %c0_i32_1 = arith.constant 0 : i32
    return %c0_i32, %c0_i32_0 : i32, i32
  }
  func.func @transform_4(%arg0: i32) -> (i32, i32) {
    %c0_i32 = arith.constant 0 : i32
    %c0_i32_0 = arith.constant 0 : i32
    %c0_i32_1 = arith.constant 0 : i32
    return %c0_i32, %c0_i32_0 : i32, i32
  }
  func.func @transform_5(%arg0: i32) -> (i32, i32) {
    %c0_i32 = arith.constant 0 : i32
    %c0_i32_0 = arith.constant 0 : i32
    %c0_i32_1 = arith.constant 0 : i32
    return %c0_i32, %c0_i32_0 : i32, i32
  }
  func.func @transform_6(%arg0: i32) -> (i32, i32) {
    %c0_i32 = arith.constant 0 : i32
    %c0_i32_0 = arith.constant 0 : i32
    %c0_i32_1 = arith.constant 0 : i32
    return %c0_i32, %c0_i32_0 : i32, i32
  }
  func.func @transform_7(%arg0: i32) -> (i32, i32) {
    %c0_i32 = arith.constant 0 : i32
    %c0_i32_0 = arith.constant 0 : i32
    %c0_i32_1 = arith.constant 0 : i32
    return %c0_i32, %c0_i32_0 : i32, i32
  }
  func.func @transform_8(%arg0: i32) -> (i32, i32) {
    %c0_i32 = arith.constant 0 : i32
    %c0_i32_0 = arith.constant 0 : i32
    return %arg0, %c0_i32 : i32, i32
  }
}

</mosaic_0001>

<sc_bundles>
// kernel: kernel.5.cloned.1.call-start
scs
__scs_entry_jumppad:
0x0: {  	(pc) =	sbr.rel $0x88, $3  }
0x1: {  	(tag) =	ssettag $0x0;
	lr =	simm.s32 $0x1  }
0x2: {  	[smem:$0x3F9A] =	sst lr;
	_ =	strace $0xD0000000  }
0x3: {  	_ = 	snop  }
0x4: {  	_ = 	snop  }
0x5: {  	_ = 	snop  }
0x6: {  	_ = 	snop  }
0x7: {  	_ = 	snop  }
__scs_overlays_trampoline_lowered:
0x8: {  	[smem:$0x3FA9] =	sst s0  }
0x9: {  	[smem:$0x3FAA] =	sst s1  }
0xa: {  	[smem:$0x3FAB] =	sst s2  }
0xb: {  	[smem:$0x3FAC] =	sst s3  }
0xc: {  	[smem:$0x3FAD] =	sst s4  }
0xd: {  	[smem:$0x3FAE] =	sst s5  }
0xe: {  	[smem:$0x3FAF] =	sst s6  }
0xf: {  	[smem:$0x3FB0] =	sst s7  }
0x10: {  	[smem:$0x3FB1] =	sst s8  }
0x11: {  	[smem:$0x3FB2] =	sst s9;
	s0 =	simm.s32 @!p0 $0x0  }
0x12: {  	s1 =	sld [smem:$0x3F98];
	s0 =	simm.s32 @p0 $0x1  }
0x13: {  	[smem:$0x3FB3] =	sst s0;
	s0 =	simm.s32 @!p1 $0x0  }
0x14: {  	s2 =	sld [smem:$0x3F97];
	s0 =	simm.s32 @p1 $0x1  }
0x15: {  	[smem:$0x3FB4] =	sst s0;
	s0 =	simm.s32 @!p2 $0x0  }
0x16: {  	s3 =	sld [smem:$0x3FDB];
	s0 =	simm.s32 @p2 $0x1  }
0x17: {  	s4 =	simm.s32 $0x1BF5;
	[smem:$0x3FB6] =	sst s0  }
0x18: {  	s0 =	sld [smem:$0x3F99];
	_ =	swait.ge [sflag:s4], $0x0  }
0x19: {  	s7 =	sld [smem:$0x3F9A]  }
0x1a: {  	s8 =	sadd.s32 $0xFFFFE003, lr  }
0x1b: {  	s9 =	sadd.s32 $0xFFFFFEF7, lr;
	s5 =	simm.s32 $0xFFFFFFFF;
	p2 =	slt.u32 s8, $0xFFFFF086  }
0x1c: {  	p1 =	slt.u32 s9, $0xF7A;
	s5 =	simm.s32 @!p2 $0x0  }
0x1d: {  	s5 =	simm.s32 @p1 $0x1;
	p0 =	seq.s32 s7, s2  }
0x1e: {  	s7 =	smul.u32 @!p0 $0xF7A, s2;
	p2 =	seq.s32 @!p0 s5, $0x0  }
0x1f: {  	s9 =	smul.u32 $0xF7A, s1;
	s8 =	simm.s32 @!p0 $0x1BF5;
	p2 =	por !p2, p0  }
0x20: {  	[sflag:s8] =	ssyncset.s32 @!p0 $0xFFFFF086;
	s6 =	sadd.s32 @!p0 s3, s7;
	s7 =	simm.s32 @!p0 $0x108  }
0x21: {  	s3 =	sadd.s32 s3, s9;
	s6 =	sadd.s32 @!p0 $0x88, s6;
	s7 =	simm.s32 @p2 $0x1082  }
0x22: {  	[simem:s7], [sflag:s8] =	dma.local @!p0 [hbm:s6], $0xF7A  }
0x23: {  	s9 =	sor.u32 $0xD0000000, s2;
	s6 =	simm.s32 $0x108;
	_ =	swait.ge @!p0 [sflag:s8], $0x0  }
0x24: {  	s3 =	sadd.s32 $0x88, s3;
	s6 =	simm.s32 @!p1 $0x1082;
	[sflag:s4] =	ssyncset.s32 $0xFFFFF086  }
0x25: {  	[simem:s6], [sflag:s4] =	dma.local [hbm:s3], $0xF7A  }
0x26: {  	[smem:$0x3F9A] =	sst s1;
	(tag) =	ssettag s2;
	_ =	strace s9  }
0x27: {  	s1 =	sld [smem:$0x3FAA]  }
0x28: {  	s2 =	sld [smem:$0x3FAB]  }
0x29: {  	s4 =	sld [smem:$0x3FAD]  }
0x2a: {  	p0 =	seq.s32 s5, $0x0;
	s5 =	sld [smem:$0x3FAE]  }
0x2b: {  	s6 =	sld [smem:$0x3FAF]  }
0x2c: {  	s7 =	sld [smem:$0x3FB0]  }
0x2d: {  	s3 =	simm.s32 $0x108;
	s8 =	sld [smem:$0x3FB1]  }
0x2e: {  	s3 =	simm.s32 @!p0 $0x1082;
	s9 =	sld [smem:$0x3FB2]  }
0x2f: {  	lr =	sadd.s32 s0, s3;
	s0 =	sld [smem:$0x3FA9]  }
0x30: {  	s3 =	sld [smem:$0x3FAC]  }
0x31: {  	[smem:$0x3FB5] =	sst s10  }
0x32: {  	s10 =	sld [smem:$0x3FB3];
	_ =	sdelay $0x3  }
0x33: {  	p0 =	seq.s32 s10, $0x1;
	s10 =	sld [smem:$0x3FB5];
	_ =	sdelay $0x3  }
0x34: {  	[smem:$0x3FB5] =	sst s10  }
0x35: {  	s10 =	sld [smem:$0x3FB4];
	_ =	sdelay $0x3  }
0x36: {  	p1 =	seq.s32 s10, $0x1;
	s10 =	sld [smem:$0x3FB5];
	_ =	sdelay $0x3  }
0x37: {  	[smem:$0x3FB5] =	sst s10  }
0x38: {  	s10 =	sld [smem:$0x3FB6]  }
0x39: {  	_ = 	snop;
	(pc) =	sbr.ind lr, $3  }
0x3a: {  	_ = 	snop  }
0x3b: {  	_ = 	snop  }
0x3c: {  	p2 =	seq.s32 s10, $0x1;
	s10 =	sld [smem:$0x3FB5]  }
0x3d: {  	_ =	shalt  }
0x3e: {  	_ =	shalt  }
0x3f: {  	_ =	shalt  }
0x40: {  	_ =	shalt  }
0x41: {  	_ =	shalt  }
0x42: {  	_ =	shalt  }
0x43: {  	_ =	shalt  }
0x44: {  	_ =	shalt  }
0x45: {  	_ =	shalt  }
0x46: {  	_ =	shalt  }
0x47: {  	_ =	shalt  }
0x48: {  	_ =	shalt  }
0x49: {  	_ =	shalt  }
0x4a: {  	_ =	shalt  }
0x4b: {  	_ =	shalt  }
0x4c: {  	_ =	shalt  }
0x4d: {  	_ =	shalt  }
0x4e: {  	_ =	shalt  }
0x4f: {  	_ =	shalt  }
0x50: {  	_ =	shalt  }
0x51: {  	_ =	shalt  }
0x52: {  	_ =	shalt  }
0x53: {  	_ =	shalt  }
0x54: {  	_ =	shalt  }
0x55: {  	_ =	shalt  }
0x56: {  	_ =	shalt  }
0x57: {  	_ =	shalt  }
0x58: {  	_ =	shalt  }
0x59: {  	_ =	shalt  }
0x5a: {  	_ =	shalt  }
0x5b: {  	_ =	shalt  }
0x5c: {  	_ =	shalt  }
0x5d: {  	_ =	shalt  }
0x5e: {  	_ =	shalt  }
0x5f: {  	_ =	shalt  }
0x60: {  	_ =	shalt  }
0x61: {  	_ =	shalt  }
0x62: {  	_ =	shalt  }
0x63: {  	_ =	shalt  }
0x64: {  	_ =	shalt  }
0x65: {  	_ =	shalt  }
0x66: {  	_ =	shalt  }
0x67: {  	_ =	shalt  }
0x68: {  	_ =	shalt  }
0x69: {  	_ =	shalt  }
0x6a: {  	_ =	shalt  }
0x6b: {  	_ =	shalt  }
0x6c: {  	_ =	shalt  }
0x6d: {  	_ =	shalt  }
0x6e: {  	_ =	shalt  }
0x6f: {  	_ =	shalt  }
0x70: {  	_ =	shalt  }
0x71: {  	_ =	shalt  }
0x72: {  	_ =	shalt  }
0x73: {  	_ =	shalt  }
0x74: {  	_ =	shalt  }
0x75: {  	_ =	shalt  }
0x76: {  	_ =	shalt  }
0x77: {  	_ =	shalt  }
0x78: {  	_ =	shalt  }
0x79: {  	_ =	shalt  }
0x7a: {  	_ =	shalt  }
0x7b: {  	_ =	shalt  }
0x7c: {  	_ =	shalt  }
0x7d: {  	_ =	shalt  }
0x7e: {  	_ =	shalt  }
0x7f: {  	_ =	shalt  }
0x80: {  	_ =	shalt  }
0x81: {  	_ =	shalt  }
0x82: {  	_ =	shalt  }
0x83: {  	_ =	shalt  }
0x84: {  	_ =	shalt  }
0x85: {  	_ =	shalt  }
0x86: {  	_ =	shalt  }
0x87: {  	_ =	shalt  }
.Lfunc_end0:
.L_simem_size_0:
called_computation_lowered:
.L_overlay_start_0:
0x88: {  	s2 =	sld [smem:$0x3FD9]  }
0x89: {  	s3 =	sld [smem:$0x3FFE];
	_ =	sdelay $0x1  }
0x8a: {  	s1 =	srdreg.scid  }
0x8b: {  	s0 =	sand.u32 $0x1, s1  }
0x8c: {  	s17 =	sshll.u32 s0, $0xA;
	s2 =	sadd.s32 s3, s2  }
0x8d: {  	s2 =	sadd.s32 s2, s17  }
0x8e: {  	[smem:$0x3FC1] =	sst s2  }
0x8f: {  	_ = 	snop  }
0x90: {  	s2 =	sld [smem:$0x3FC8]  }
0x91: {  	s18 =	sld [smem:$0x3FC7];
	(tm) =	ssettm $0x1  }
0x92: {  	s4 =	sld [smem:$0x3FFB];
	_ =	sdelay $0x3  }
0x93: {  	_ =	strace s4  }
0x94: {  	s4 =	sld [smem:$0x3FFC];
	_ =	sdelay $0x3  }
0x95: {  	_ =	strace s4  }
0x96: {  	s4 =	sld [smem:$0x3FFD];
	_ =	sdelay $0x3  }
0x97: {  	_ =	strace s4  }
0x98: {  	_ =	strace $0x8FFFFFFF  }
0x99: {  	s19 =	sld [smem:$0x3FDB];
	_ =	sdelay $0x1  }
0x9a: {  	s5 =	simm.s32 $_scs_section_size  }
0x9b: {  	s6 =	simm.s32 $_size__tile_overlayer_lowered;
	s7 =	simm.s32 $_tile_overlayer_lowered  }
0x9c: {  	s22 =	simm.s32 $0x1BFF;
	s21 =	sshll.u32 s7, $0x1;
	s4 =	sadd.s32 s5, s19  }
0x9d: {  	s8 =	simm.s32 $0x0;
	s20 =	sshll.u32 s6, $0x1;
	s6 =	sadd.s32 s21, s4  }
0x9e: {  	[timem:s8], [sflag:s22] =	dma.local [hbm:s6], s20  }
0x9f: {  	_ =	swait.ge [sflag:s22], s20  }
0xa0: {  	s5 =	ssub.s32 $0x0, s20;
	[sflag:s22] =	ssyncset.done $0x0  }
0xa1: {  	[sflag:s22] =	ssyncadd.s32 s5;
	_ =	sdelay $0x1  }
0xa2: {  	s23 =	simm.s32 $0x1B8B  }
0xa3: {  	_ =	swait.ge [sflag:s23], $0x1  }
0xa4: {  	[sflag:s23] =	ssyncset.done $0x0  }
0xa5: {  	s25 =	simm.s32 $0x1B8E;
	s24 =	sld [smem:$0x3FFE];
	[sflag:s23] =	ssyncadd.s32 $0xFFFFFFFF  }
0xa6: {  	s26 =	simm.s32 $execute0_lowered;
	[smem:$0x3FD2] =	sst s25  }
0xa7: {  	s6 =	sshll.u32 s26, $0x1;
	_ =	strace $0x80000046;
	[dreg:$0x1] =	wrdreg $0xFFFFFFFF  }
0xa8: {  	s28 =	simm.s32 $_size_execute0_lowered;
	s4 =	sadd.s32 s4, s6;
	[dreg:$0x0] =	wrdreg $0x0  }
0xa9: {  	s6 =	sshll.u32 s28, $0x1;
	[dreg:$0x2] =	wrdreg s4  }
0xaa: {  	[dreg:$0x3] =	wrdreg s6  }
0xab: {  	[dreg:$0x4] =	wrdreg $0xC0  }
0xac: {  	_ =	task [dreg:s8], $0x5FFFF  }
0xad: {  	[dreg:$0x1] =	wrdreg $0xFFFFFFFF  }
0xae: {  	[dreg:$0x0] =	wrdreg $0x60  }
0xaf: {  	[dreg:$0x2] =	wrdreg s2  }
0xb0: {  	[dreg:$0x3] =	wrdreg s18  }
0xb1: {  	[dreg:$0x4] =	wrdreg s24  }
0xb2: {  	[dreg:$0x5] =	wrdreg $0x9  }
0xb3: {  	_ =	task.clear_ibuf [dreg:s8], $0x6FFFF;
	_ =	strace $0x90000046  }
0xb4: {  	s29 =	simm.s32 $0x9;
	_ =	strace $0x80000048  }
0xb5: {  	_ =	swait.ge [sflag:s29], $0x1  }
0xb6: {  	[sflag:s29] =	ssyncadd.s32 $0xFFFFFFFF  }
0xb7: {  	_ =	strace $0x90000048  }
0xb8: {  	_ =	sfence  }
0xb9: {  	s30 =	sld [smem:$0x0];
	_ =	sdelay $0x2  }
0xba: {  	s31 =	sshll.u32 s1, $0xD;
	s1 =	sshrl.u32 s1, $0x2  }
0xbb: {  	s3 =	sand.u32 $0x4000, s31;
	s1 =	sadd.s32 s1, s30  }
0xbc: {  	s0 =	sor.u32 s3, s0;
	s1 =	sshll.u32 s1, $0x11  }
0xbd: {  	s0 =	sor.u32 s1, s0  }
0xbe: {  	s0 =	sadd.s32 $0x8F2B, s0  }
0xbf: {  	[sflag:s0] =	ssyncadd.remote.s32 $0x1  }
0xc0: {  	_ =	sfence.sel $0xFFFF  }
0xc1: {  	[dreg:$0x0] =	wrdreg $0xFFFFFFFF;
	(pc) =	sbr.abs _section_cstart, $3  }
0xc2: {  	[dreg:$0x1] =	wrdreg $0xFFFFFFFF  }
0xc3: {  	_ =	task.clear_ibuf [dreg:s8], $0x2FFFF;
	_ =	strace $0x9FFFFFFF  }
0xc4: {  	(tm) =	ssettm $0x7FFFFFFF  }
0xc5: {  	_ =	shalt  }
tec
execute0_lowered:
.L_overlay_start_1:
0x0: {  	(tag) =	ssettag $0x1  }
0x1: {  	s0 =	rddreg [dreg:$0x0];
	s1 =	srdreg.scid  }
0x2: {  	s2 =	stileid.u32;
	s4 =	rddreg [dreg:$0x1]  }
0x3: {  	s3 =	rddreg [dreg:$0x2];
	s8 =	simm.s32 $0x80;
	s9 =	simm.s32 $0x100  }
0x4: {  	s13 =	simm.s32 $0x1;
	s1 =	sand.u32 $0x1, s1;
	s2 =	sshll.u32 s2, $0x1  }
0x5: {  	s14 =	simm.s32 $0x2;
	s5 =	sor.u32 s1, s2;
	s1 =	ssub.s32 $0x2, s1  }
0x6: {  	s2 =	simm.s32 $0x0;
	s6 =	smul.u32 $0x2800, s5;
	s29 =	sshrl.u32 s1, $0x1  }
0x7: {  	s4 =	sadd.s32 $0x10, s4;
	[smem:$0x7FF] =	sst s2;
	s1 =	ssub.s32 s1, s29  }
0x8: {  	s5 =	smul.u32 $0x27100, s5;
	s6 =	sadd.s32 s6, s3;
	s31 =	smax.u32 s1, $0x1  }
0x9: {  	_ =	strace $0x80000047;
	s30 =	sadd.s32 $0x1200, s6;
	[dreg:$0x5] =	wrdreg s31  }
0xa: {  	v0 =	vimm.f32 $0.0e+00;
	s3 =	sadd.s32 s0, s5;
	s5 =	simm.s32 $0x0;
	[dreg:$0x4] =	wrdreg s30  }
.LBB2_1:
0xb: {  	s0 =	simm.s32 $0x14000;
	s31 =	sand.u32 $0x70, s2;
	s1 =	sand.u32 $0x1FC00, s2  }
0xc: {  	[tilespmem:s0], [sflag:$0x1] =	stream.linear.gather [hbm4b:s3+s2], $0x2800, $0x38;
	[tilespmem:$0x19A00] =	vst v63  }
0xd: {  	s30 =	simm.s32 $0x19000;
	s0 =	sor.u32 s31, s1  }
0xe: {  	[tilespmem:s30], [sflag:$0x1] =	stream.strided.gather [hbm4b:s4+s8], $0x500, s9, s8, $0x38;
	[tilespmem:$0x19A00] =	vst v63  }
0xf: {  	[dreg:$0x6] =	wrdreg s5;
	s5 =	simm.s32 $0x0;
	s1 =	simm.s32 $0x10;
	[tilespmem:s0+$0x0] =	vst v0  }
.LBB2_2:
0x10: {  	p0 =	sne.s32 s1, $0x27F0  }
.Ltmp0:
0x11: {  	_ = 	snop;
	(pc) =	sbr.rel @p0 .LBB2_2-.Ltmp0, $4  }
0x12: {  	s5 =	sadd.s32 $0x80, s5  }
0x13: {  	s0 =	sand.u32 $0x70, s1;
	s6 =	sand.u32 $0x1FC00, s5  }
0x14: {  	s0 =	sor.u32 s0, s6  }
0x15: {  	s1 =	sadd.s32 $0x10, s1;
	[tilespmem:s0+$0x0] =	vst v0;
	s0 =	simm.s32 $0x0  }
0x16: {  	s1 =	sand.u32 $0x70, s0;
	s5 =	sand.u32 $0x1FC00, s0  }
0x17: {  	s1 =	sor.u32 s1, s5  }
0x18: {  	s6 =	simm.s32 $0x0;
	s5 =	simm.s32 $0x10;
	[tilespmem:s1+$0x80] =	vst v0  }
.LBB2_4:
0x19: {  	p0 =	sne.s32 s5, $0x27F0  }
.Ltmp1:
0x1a: {  	_ = 	snop;
	(pc) =	sbr.rel @p0 .LBB2_4-.Ltmp1, $4  }
0x1b: {  	s6 =	sadd.s32 $0x80, s6  }
0x1c: {  	s17 =	sand.u32 $0x70, s5;
	s18 =	sand.u32 $0x1FC00, s6  }
0x1d: {  	s17 =	sor.u32 s17, s18  }
0x1e: {  	s5 =	sadd.s32 $0x10, s5;
	[tilespmem:s17+$0x80] =	vst v0  }
0x1f: {  	s5 =	simm.s32 $0x10;
	[tilespmem:s1+$0x100] =	vst v0  }
.LBB2_6:
0x20: {  	p0 =	sne.s32 s5, $0x27F0  }
.Ltmp2:
0x21: {  	_ = 	snop;
	(pc) =	sbr.rel @p0 .LBB2_6-.Ltmp2, $4  }
0x22: {  	s0 =	sadd.s32 $0x80, s0  }
0x23: {  	s1 =	sand.u32 $0x70, s5;
	s6 =	sand.u32 $0x1FC00, s0  }
0x24: {  	s1 =	sor.u32 s1, s6  }
0x25: {  	s5 =	sadd.s32 $0x10, s5;
	[tilespmem:s1+$0x100] =	vst v0;
	s1 =	simm.s32 $0x0  }
0x26: {  	s0 =	sand.u32 $0x70, s1;
	s5 =	sand.u32 $0x1FC00, s1  }
0x27: {  	s0 =	sor.u32 s0, s5  }
0x28: {  	s6 =	simm.s32 $0x0;
	s5 =	simm.s32 $0x10;
	[tilespmem:s0+$0x180] =	vst v0  }
.LBB2_8:
0x29: {  	p0 =	sne.s32 s5, $0x27F0  }
.Ltmp3:
0x2a: {  	_ = 	snop;
	(pc) =	sbr.rel @p0 .LBB2_8-.Ltmp3, $4  }
0x2b: {  	s6 =	sadd.s32 $0x80, s6  }
0x2c: {  	s17 =	sand.u32 $0x70, s5;
	s18 =	sand.u32 $0x1FC00, s6  }
0x2d: {  	s17 =	sor.u32 s17, s18  }
0x2e: {  	s5 =	sadd.s32 $0x10, s5;
	[tilespmem:s17+$0x180] =	vst v0  }
0x2f: {  	s5 =	simm.s32 $0x10;
	[tilespmem:s0+$0x200] =	vst v0  }
.LBB2_10:
0x30: {  	p0 =	sne.s32 s5, $0x27F0  }
.Ltmp4:
0x31: {  	_ = 	snop;
	(pc) =	sbr.rel @p0 .LBB2_10-.Ltmp4, $4  }
0x32: {  	s1 =	sadd.s32 $0x80, s1  }
0x33: {  	s0 =	sand.u32 $0x70, s5;
	s6 =	sand.u32 $0x1FC00, s1  }
0x34: {  	s0 =	sor.u32 s0, s6  }
0x35: {  	s5 =	sadd.s32 $0x10, s5;
	[tilespmem:s0+$0x200] =	vst v0;
	s0 =	simm.s32 $0x0  }
0x36: {  	s1 =	sand.u32 $0x70, s0;
	s5 =	sand.u32 $0x1FC00, s0  }
0x37: {  	s1 =	sor.u32 s1, s5  }
0x38: {  	s6 =	simm.s32 $0x0;
	s5 =	simm.s32 $0x10;
	[tilespmem:s1+$0x280] =	vst v0  }
.LBB2_12:
0x39: {  	p0 =	sne.s32 s5, $0x27F0  }
.Ltmp5:
0x3a: {  	_ = 	snop;
	(pc) =	sbr.rel @p0 .LBB2_12-.Ltmp5, $4  }
0x3b: {  	s6 =	sadd.s32 $0x80, s6  }
0x3c: {  	s17 =	sand.u32 $0x70, s5;
	s18 =	sand.u32 $0x1FC00, s6  }
0x3d: {  	s17 =	sor.u32 s17, s18  }
0x3e: {  	s5 =	sadd.s32 $0x10, s5;
	[tilespmem:s17+$0x280] =	vst v0  }
0x3f: {  	s5 =	simm.s32 $0x10;
	[tilespmem:s1+$0x300] =	vst v0  }
.LBB2_14:
0x40: {  	p0 =	sne.s32 s5, $0x27F0  }
.Ltmp6:
0x41: {  	_ = 	snop;
	(pc) =	sbr.rel @p0 .LBB2_14-.Ltmp6, $4  }
0x42: {  	s0 =	sadd.s32 $0x80, s0  }
0x43: {  	s1 =	sand.u32 $0x70, s5;
	s6 =	sand.u32 $0x1FC00, s0  }
0x44: {  	s1 =	sor.u32 s1, s6  }
0x45: {  	s5 =	sadd.s32 $0x10, s5;
	s17 =	simm.s32 $0x0;
	[tilespmem:s1+$0x300] =	vst v0  }
0x46: {  	s0 =	sand.u32 $0x70, s17;
	s1 =	sand.u32 $0x1FC00, s17  }
0x47: {  	s1 =	sor.u32 s0, s1  }
0x48: {  	s0 =	simm.s32 $0x10;
	[tilespmem:s1+$0x380] =	vst v0;
	s1 =	simm.s32 $0x0  }
.LBB2_16:
0x49: {  	p0 =	sne.s32 s0, $0x27F0  }
.Ltmp7:
0x4a: {  	_ = 	snop;
	(pc) =	sbr.rel @p0 .LBB2_16-.Ltmp7, $4  }
0x4b: {  	s1 =	sadd.s32 $0x80, s1  }
0x4c: {  	s5 =	sand.u32 $0x70, s0;
	s6 =	sand.u32 $0x1FC00, s1  }
0x4d: {  	s5 =	sor.u32 s5, s6  }
0x4e: {  	s0 =	sadd.s32 $0x10, s0;
	[tilespmem:s5+$0x380] =	vst v0  }
.LBB2_17:
0x4f: {  	s18 =	smul.u32 $0xA00, s17;
	_ =	sdelay $0x1  }
0x50: {  	s19 =	simm.s32 $0x0;
	s0 =	sadd.s32 $0x500, s18  }
0x51: {  	s5 =	simm.s32 $0x16800;
	s1 =	sadd.s32 s0, s3;
	s0 =	sshrl.u32 s0, $0x2  }
0x52: {  	[tilespmem:s5], [sflag:$0x2] =	stream.linear.gather [hbm4b:s1+s19], $0x2800, $0x38;
	[tilespmem:$0x19A00] =	vst v63  }
0x53: {  	s22 =	simm.s32 $0x19500;
	s0 =	sadd.s32 s0, s4  }
0x54: {  	[tilespmem:s22], [sflag:$0x2] =	stream.strided.gather [hbm4b:s0+s8], $0x500, s9, s8, $0x38;
	[tilespmem:$0x19A00] =	vst v63  }
0x55: {  	_ =	swait.ge [sflag:s13], $0x2800  }
0x56: {  	[sflag:s13] =	ssyncset.done $0x0  }
0x57: {  	[sflag:s13] =	ssyncadd.s32 $0xFFFFD800  }
0x58: {  	s23 =	sand.u32 $0x40, s19;
	s24 =	sand.u32 $0x780, s19;
	_ =	swait.ge [sflag:s13], $0x500  }
0x59: {  	s25 =	sor.u32 $0x30, s23;
	s1 =	sor.u32 $0x19000, s24;
	[sflag:s13] =	ssyncset.done $0x0  }
0x5a: {  	s6 =	sor.u32 s25, s1;
	[sflag:s13] =	ssyncadd.s32 $0xFFFFFB00  }
0x5b: {  	s20 =	simm.s32 $0x19000;
	s21 =	sor.u32 $0x10, s23;
	v1 =	vld [tilespmem:s6+$0x0]  }
0x5c: {  	s26 =	sor.u32 $0x20, s23;
	s28 =	sor.u32 s21, s1;
	v2 =	vld [tilespmem:s20+$0x0]  }
0x5d: {  	s1 =	sor.u32 s26, s1;
	v3 =	vld [tilespmem:s28+$0x0]  }
0x5e: {  	v4 =	vld [tilespmem:s1+$0x0]  }
0x5f: {  	s30 =	sand.u32 $0x3C00, s19  }
0x60: {  	s1 =	sor.u32 $0x14000, s30;
	v5 =	vshll.u32 v1, $0x3  }
0x61: {  	s5 =	sor.u32 s25, s1;
	v1 =	vand.u32 $0x7F, v1;
	v5 =	vand.u32 $0xFFFFFC00, v5  }
0x62: {  	v8 =	vld [tilespmem:s5+$0x0];
	v6 =	vshll.u32 v2, $0x3;
	v7 =	vshll.u32 v3, $0x3;
	v5 =	vor.u32 v1, v5  }
0x63: {  	s31 =	sor.u32 s21, s1;
	v3 =	vand.u32 $0x7F, v3;
	v1 =	vand.u32 $0xFFFFFC00, v7;
	v7 =	vshll.u32 v4, $0x3  }
0x64: {  	s6 =	sor.u32 s26, s1;
	v9 =	vld [tilespmem:s31+$0x0];
	v4 =	vand.u32 $0x7F, v4;
	v7 =	vand.u32 $0xFFFFFC00, v7;
	v3 =	vor.u32 v3, v1  }
0x65: {  	s0 =	sor.u32 s23, s1;
	v1 =	vand.u32 $0x7F, v2;
	v2 =	vand.u32 $0xFFFFFC00, v6;
	v6 =	vor.u32 v4, v7;
	v4 =	vld [tilespmem:s6+$0x0]  }
0x66: {  	v7 =	vld [tilespmem:s0+$0x0];
	v1 =	vor.u32 v1, v2  }
0x67: {  	[tilespmem:v5+s2+$0x0] =	vst.idx.add.f32.msk $0xffff, v8  }
0x68: {  	v2 =	vld [tilespmem:s5+$0x80]  }
0x69: {  	[tilespmem:v3+s2+$0x0] =	vst.idx.add.f32.msk $0xffff, v9  }
0x6a: {  	v8 =	vor.u32 $0x80, v5;
	[tilespmem:v6+s2+$0x0] =	vst.idx.add.f32.msk $0xffff, v4  }
0x6b: {  	[tilespmem:v1+s2+$0x0] =	vst.idx.add.f32.msk $0xffff, v7  }
0x6c: {  	v4 =	vor.u32 $0x80, v3;
	v7 =	vld [tilespmem:s31+$0x80]  }
0x6d: {  	v10 =	vor.u32 $0x80, v6;
	v54 =	vld [tilespmem:s6+$0x80]  }
0x6e: {  	v12 =	vor.u32 $0x80, v1;
	v11 =	vld [tilespmem:s0+$0x80]  }
0x6f: {  	[tilespmem:v8+s2+$0x0] =	vst.idx.add.f32.msk $0xffff, v2  }
0x70: {  	v2 =	vld [tilespmem:s5+$0x100]  }
0x71: {  	v8 =	vor.u32 $0x100, v5;
	[tilespmem:v4+s2+$0x0] =	vst.idx.add.f32.msk $0xffff, v7  }
0x72: {  	[tilespmem:v10+s2+$0x0] =	vst.idx.add.f32.msk $0xffff, v54  }
0x73: {  	[tilespmem:v12+s2+$0x0] =	vst.idx.add.f32.msk $0xffff, v11  }
0x74: {  	v55 =	vor.u32 $0x100, v6;
	v10 =	vld [tilespmem:s6+$0x100]  }
0x75: {  	v56 =	vor.u32 $0x100, v1;
	v11 =	vld [tilespmem:s0+$0x100]  }
0x76: {  	[tilespmem:v8+s2+$0x0] =	vst.idx.add.f32.msk $0xffff, v2  }
0x77: {  	p0 =	por $0x0, $0x0;
	s1 =	simm.s32 $0x1;
	v7 =	vor.u32 $0x180, v5;
	v2 =	vld [tilespmem:s5+$0x180]  }
0x78: {  	s1 =	simm.s32 @!p0 $0x0;
	v4 =	vld [tilespmem:s31+$0x100]  }
0x79: {  	s1 =	sshll.u32 s1, $0x6;
	[tilespmem:v55+s2+$0x0] =	vst.idx.add.f32.msk $0xffff, v10  }
0x7a: {  	s21 =	sadd.s32 $0x0, s1;
	v8 =	vor.u32 $0x100, v3;
	[tilespmem:v56+s2+$0x0] =	vst.idx.add.f32.msk $0xffff, v11  }
0x7b: {  	s1 =	sadd.s32 $0x30, s21;
	v9 =	vld [tilespmem:s6+$0x180]  }
0x7c: {  	s7 =	sor.u32 $0x200, s1;
	v57 =	vor.u32 $0x180, v6;
	[tilespmem:v7+s2+$0x0] =	vst.idx.add.f32.msk $0xffff, v2  }
0x7d: {  	v7 =	vor.u32 $0x200, v5;
	v2 =	vld [tilespmem:s7+$0x14000]  }
0x7e: {  	v11 =	vld [tilespmem:s0+$0x180]  }
0x7f: {  	v58 =	vor.u32 $0x180, v1;
	[tilespmem:v8+s2+$0x0] =	vst.idx.add.f32.msk $0xffff, v4  }
0x80: {  	v8 =	vld [tilespmem:s31+$0x180]  }
0x81: {  	v4 =	vor.u32 $0x180, v3;
	[tilespmem:v57+s2+$0x0] =	vst.idx.add.f32.msk $0xffff, v9  }
0x82: {  	s10 =	sor.u32 $0x280, s1;
	[tilespmem:v7+s2+$0x0] =	vst.idx.add.f32.msk $0xffff, v2  }
0x83: {  	v7 =	vor.u32 $0x280, v5;
	v2 =	vld [tilespmem:s10+$0x14000]  }
0x84: {  	s23 =	sor.u32 $0x200, s21;
	[tilespmem:v58+s2+$0x0] =	vst.idx.add.f32.msk $0xffff, v11  }
0x85: {  	s11 =	sadd.s32 $0x10, s21;
	v11 =	vld [tilespmem:s23+$0x14000]  }
0x86: {  	s12 =	sor.u32 $0x200, s11;
	v60 =	vor.u32 $0x200, v1;
	[tilespmem:v4+s2+$0x0] =	vst.idx.add.f32.msk $0xffff, v8  }
0x87: {  	v4 =	vld [tilespmem:s12+$0x14000]  }
0x88: {  	s16 =	sadd.s32 $0x20, s21;
	s15 =	sor.u32 $0x300, s1;
	v8 =	vor.u32 $0x200, v3;
	[tilespmem:v7+s2+$0x0] =	vst.idx.add.f32.msk $0xffff, v2  }
0x89: {  	s22 =	sor.u32 $0x200, s16;
	v7 =	vor.u32 $0x300, v5;
	v2 =	vld [tilespmem:s15+$0x14000]  }
0x8a: {  	v10 =	vld [tilespmem:s22+$0x14000]  }
0x8b: {  	s26 =	sor.u32 $0x280, s21;
	v59 =	vor.u32 $0x200, v6;
	[tilespmem:v60+s2+$0x0] =	vst.idx.add.f32.msk $0xffff, v11  }
0x8c: {  	v61 =	vld [tilespmem:s26+$0x14000]  }
0x8d: {  	v62 =	vor.u32 $0x280, v1;
	[tilespmem:v8+s2+$0x0] =	vst.idx.add.f32.msk $0xffff, v4  }
0x8e: {  	s24 =	sor.u32 $0x280, s11;
	[tilespmem:v7+s2+$0x0] =	vst.idx.add.f32.msk $0xffff, v2  }
0x8f: {  	v4 =	vor.u32 $0x380, v5;
	v5 =	vor.u32 $0x280, v3;
	v7 =	vld [tilespmem:s24+$0x14000]  }
0x90: {  	s25 =	sor.u32 $0x280, s16;
	[tilespmem:v59+s2+$0x0] =	vst.idx.add.f32.msk $0xffff, v10  }
0x91: {  	v9 =	vld [tilespmem:s25+$0x14000];
	v8 =	vor.u32 $0x280, v6  }
0x92: {  	s1 =	sor.u32 $0x380, s1;
	[tilespmem:v62+s2+$0x0] =	vst.idx.add.f32.msk $0xffff, v61  }
0x93: {  	v2 =	vld [tilespmem:s1+$0x14000]  }
0x94: {  	s28 =	sor.u32 $0x300, s11;
	[tilespmem:v5+s2+$0x0] =	vst.idx.add.f32.msk $0xffff, v7  }
0x95: {  	v63 =	vor.u32 $0x300, v3;
	v13 =	vld [tilespmem:s28+$0x14000]  }
0x96: {  	s30 =	sor.u32 $0x300, s16;
	[tilespmem:v8+s2+$0x0] =	vst.idx.add.f32.msk $0xffff, v9  }
0x97: {  	v7 =	vld [tilespmem:s30+$0x14000]  }
0x98: {  	s31 =	sor.u32 $0x300, s21;
	v5 =	vor.u32 $0x300, v6;
	[tilespmem:v4+s2+$0x0] =	vst.idx.add.f32.msk $0xffff, v2  }
0x99: {  	s20 =	simm.s32 $0x0;
	s29 =	sor.u32 $0x380, s11;
	s22 =	simm.s32 $0x19040;
	v4 =	vld [tilespmem:s31+$0x14000]  }
0x9a: {  	s25 =	sor.u32 $0x380, s21;
	s21 =	simm.s32 $0x40;
	v3 =	vor.u32 $0x380, v3;
	s24 =	sor.u32 $0x380, s16;
	v2 =	vor.u32 $0x380, v6;
	[tilespmem:v63+s2+$0x0] =	vst.idx.add.f32.msk $0xffff, v13  }
.LBB2_18:
0x9b: {  	s0 =	sand.u32 $0x40, s21;
	s1 =	sand.u32 $0x780, s21;
	s20 =	sadd.s32 $0x4, s20;
	v6 =	vld [tilespmem:s29+$0x14000]  }
0x9c: {  	v9 =	vor.u32 $0x300, v1;
	v8 =	vld [tilespmem:s22+$0x0];
	s1 =	sor.u32 $0x19000, s1;
	s5 =	sor.u32 $0x30, s0;
	p1 =	slt.u32 s20, $0x4C  }
0x9d: {  	s6 =	sor.u32 $0x10, s0;
	s28 =	sor.u32 $0x20, s0;
	s23 =	sor.u32 s5, s1;
	[tilespmem:v5+s2+$0x0] =	vst.idx.add.f32.msk $0xffff, v7  }
0x9e: {  	s26 =	sor.u32 s6, s1;
	s1 =	sor.u32 s28, s1;
	v5 =	vld [tilespmem:s23+$0x0]  }
0x9f: {  	v7 =	vld [tilespmem:s26+$0x0]  }
0xa0: {  	v10 =	vld [tilespmem:s1+$0x0]  }
0xa1: {  	s19 =	sadd.s32 $0x200, s19;
	[tilespmem:v9+s2+$0x0] =	vst.idx.add.f32.msk $0xffff, v4  }
0xa2: {  	s1 =	sand.u32 $0x3C00, s19;
	v4 =	vshll.u32 v8, $0x3;
	v9 =	vld [tilespmem:s24+$0x14000]  }
0xa3: {  	v11 =	vand.u32 $0x7F, v8;
	s24 =	sor.u32 $0x14000, s1;
	v12 =	vand.u32 $0xFFFFFC00, v4;
	v8 =	vshll.u32 v5, $0x3;
	v4 =	vld [tilespmem:s25+$0x14000]  }
0xa4: {  	s23 =	sor.u32 s0, s24;
	s26 =	sor.u32 s6, s24;
	s1 =	sor.u32 s5, s24;
	v5 =	vand.u32 $0x7F, v5;
	v13 =	vshll.u32 v7, $0x3;
	v8 =	vand.u32 $0xFFFFFC00, v8;
	[tilespmem:v3+s2+$0x0] =	vst.idx.add.f32.msk $0xffff, v6  }
0xa5: {  	s28 =	sor.u32 s28, s24;
	v3 =	vand.u32 $0xFFFFFC00, v13;
	v6 =	vshll.u32 v10, $0x3;
	v13 =	vld [tilespmem:s1+$0x0];
	v8 =	vor.u32 v5, v8  }
0xa6: {  	v5 =	vand.u32 $0x7F, v7;
	v10 =	vand.u32 $0x7F, v10;
	v14 =	vld [tilespmem:s23+$0x0];
	v6 =	vand.u32 $0xFFFFFC00, v6  }
0xa7: {  	v7 =	vor.u32 v11, v12;
	v3 =	vor.u32 v5, v3;
	v11 =	vld [tilespmem:s26+$0x0];
	v12 =	vor.u32 v10, v6  }
0xa8: {  	v15 =	vor.u32 $0x80, v3;
	v16 =	vor.u32 $0x100, v3;
	v17 =	vld [tilespmem:s28+$0x0];
	v18 =	vor.u32 $0x80, v12  }
0xa9: {  	v19 =	vor.u32 $0x180, v3;
	v20 =	vor.u32 $0x100, v12;
	v21 =	vor.u32 $0x180, v12;
	[tilespmem:v2+s2+$0x0] =	vst.idx.add.f32.msk $0xffff, v9  }
0xaa: {  	v22 =	vor.u32 $0x200, v3;
	v23 =	vor.u32 $0x200, v12;
	v9 =	vor.u32 $0x280, v3;
	[tilespmem:v8+s2+$0x0] =	vst.idx.add.f32.msk $0xffff, v13  }
0xab: {  	v24 =	vor.u32 $0x80, v8;
	v6 =	vor.u32 $0x300, v3;
	v10 =	vor.u32 $0x280, v12;
	v13 =	vld [tilespmem:s1+$0x80]  }
0xac: {  	v5 =	vor.u32 $0x300, v12;
	v2 =	vor.u32 $0x380, v12;
	[tilespmem:v3+s2+$0x0] =	vst.idx.add.f32.msk $0xffff, v11;
	v3 =	vor.u32 $0x380, v3  }
0xad: {  	[tilespmem:v12+s2+$0x0] =	vst.idx.add.f32.msk $0xffff, v17  }
0xae: {  	[tilespmem:v7+s2+$0x0] =	vst.idx.add.f32.msk $0xffff, v14  }
0xaf: {  	v11 =	vld [tilespmem:s26+$0x80]  }
0xb0: {  	[tilespmem:v24+s2+$0x0] =	vst.idx.add.f32.msk $0xffff, v13  }
0xb1: {  	v13 =	vor.u32 $0x100, v8;
	v12 =	vld [tilespmem:s1+$0x100]  }
0xb2: {  	v14 =	vld [tilespmem:s28+$0x80]  }
0xb3: {  	v17 =	vld [tilespmem:s23+$0x80]  }
0xb4: {  	v24 =	vor.u32 $0x80, v7;
	[tilespmem:v15+s2+$0x0] =	vst.idx.add.f32.msk $0xffff, v11  }
0xb5: {  	v11 =	vld [tilespmem:s26+$0x100]  }
0xb6: {  	[tilespmem:v13+s2+$0x0] =	vst.idx.add.f32.msk $0xffff, v12  }
0xb7: {  	p0 =	por !p0, !p0;
	s0 =	simm.s32 $0x1;
	v13 =	vor.u32 $0x180, v8;
	v12 =	vld [tilespmem:s1+$0x180]  }
0xb8: {  	s0 =	simm.s32 @!p0 $0x0;
	[tilespmem:v18+s2+$0x0] =	vst.idx.add.f32.msk $0xffff, v14  }
0xb9: {  	s0 =	sshll.u32 s0, $0x6;
	[tilespmem:v24+s2+$0x0] =	vst.idx.add.f32.msk $0xffff, v17  }
0xba: {  	s25 =	sadd.s32 s0, s19;
	v14 =	vld [tilespmem:s28+$0x100]  }
0xbb: {  	s24 =	sadd.s32 $0x10, s25;
	s15 =	sadd.s32 $0x20, s25;
	s16 =	sadd.s32 $0x30, s25;
	v17 =	vor.u32 $0x100, v7;
	v15 =	vld [tilespmem:s23+$0x100]  }
0xbc: {  	s11 =	sor.u32 $0x200, s24;
	s12 =	sor.u32 $0x200, s15;
	s1 =	sor.u32 $0x200, s16;
	[tilespmem:v13+s2+$0x0] =	vst.idx.add.f32.msk $0xffff, v12  }
0xbd: {  	s7 =	sor.u32 $0x200, s25;
	s6 =	sor.u32 $0x280, s24;
	s0 =	sor.u32 $0x280, s15;
	v13 =	vor.u32 $0x200, v8;
	v12 =	vld [tilespmem:s1+$0x14000]  }
0xbe: {  	s5 =	sor.u32 $0x280, s25;
	s31 =	sor.u32 $0x300, s15;
	s1 =	sor.u32 $0x300, s24;
	[tilespmem:v16+s2+$0x0] =	vst.idx.add.f32.msk $0xffff, v11  }
0xbf: {  	s30 =	sor.u32 $0x300, s25;
	s29 =	sor.u32 $0x380, s24;
	s24 =	sor.u32 $0x380, s15;
	[tilespmem:v20+s2+$0x0] =	vst.idx.add.f32.msk $0xffff, v14  }
0xc0: {  	s25 =	sor.u32 $0x380, s25;
	[tilespmem:v17+s2+$0x0] =	vst.idx.add.f32.msk $0xffff, v15  }
0xc1: {  	v11 =	vld [tilespmem:s26+$0x180]  }
0xc2: {  	s15 =	sor.u32 $0x280, s16;
	[tilespmem:v13+s2+$0x0] =	vst.idx.add.f32.msk $0xffff, v12  }
0xc3: {  	v13 =	vor.u32 $0x280, v8;
	v12 =	vld [tilespmem:s15+$0x14000]  }
0xc4: {  	v14 =	vld [tilespmem:s28+$0x180]  }
0xc5: {  	v15 =	vld [tilespmem:s23+$0x180]  }
0xc6: {  	v16 =	vor.u32 $0x180, v7;
	[tilespmem:v19+s2+$0x0] =	vst.idx.add.f32.msk $0xffff, v11  }
0xc7: {  	v11 =	vld [tilespmem:s11+$0x14000]  }
0xc8: {  	s11 =	sor.u32 $0x300, s16;
	[tilespmem:v13+s2+$0x0] =	vst.idx.add.f32.msk $0xffff, v12  }
0xc9: {  	v13 =	vor.u32 $0x300, v8;
	v12 =	vld [tilespmem:s11+$0x14000]  }
0xca: {  	[tilespmem:v21+s2+$0x0] =	vst.idx.add.f32.msk $0xffff, v14  }
0xcb: {  	[tilespmem:v16+s2+$0x0] =	vst.idx.add.f32.msk $0xffff, v15  }
0xcc: {  	v14 =	vld [tilespmem:s12+$0x14000]  }
0xcd: {  	v16 =	vor.u32 $0x200, v7;
	v15 =	vld [tilespmem:s7+$0x14000]  }
0xce: {  	s7 =	sor.u32 $0x380, s16;
	[tilespmem:v13+s2+$0x0] =	vst.idx.add.f32.msk $0xffff, v12  }
0xcf: {  	v8 =	vor.u32 $0x380, v8;
	v12 =	vld [tilespmem:s7+$0x14000]  }
0xd0: {  	[tilespmem:v22+s2+$0x0] =	vst.idx.add.f32.msk $0xffff, v11  }
0xd1: {  	[tilespmem:v23+s2+$0x0] =	vst.idx.add.f32.msk $0xffff, v14  }
0xd2: {  	v11 =	vor.u32 $0x380, v1;
	v1 =	vmov v7;
	[tilespmem:v16+s2+$0x0] =	vst.idx.add.f32.msk $0xffff, v15  }
0xd3: {  	v7 =	vld [tilespmem:s6+$0x14000]  }
0xd4: {  	[tilespmem:v8+s2+$0x0] =	vst.idx.add.f32.msk $0xffff, v12  }
0xd5: {  	v8 =	vld [tilespmem:s0+$0x14000]  }
0xd6: {  	v13 =	vor.u32 $0x280, v1;
	v12 =	vld [tilespmem:s5+$0x14000]  }
0xd7: {  	[tilespmem:v11+s2+$0x0] =	vst.idx.add.f32.msk $0xffff, v4  }
0xd8: {  	[tilespmem:v9+s2+$0x0] =	vst.idx.add.f32.msk $0xffff, v7  }
0xd9: {  	v9 =	vld [tilespmem:s1+$0x14000]  }
.Ltmp8:
0xda: {  	[tilespmem:v10+s2+$0x0] =	vst.idx.add.f32.msk $0xffff, v8;
	(pc) =	sbr.rel @p1 .LBB2_18-.Ltmp8, $4  }
0xdb: {  	[tilespmem:v13+s2+$0x0] =	vst.idx.add.f32.msk $0xffff, v12  }
0xdc: {  	v7 =	vld [tilespmem:s31+$0x14000]  }
0xdd: {  	v4 =	vld [tilespmem:s30+$0x14000]  }
0xde: {  	s21 =	sadd.s32 $0x40, s21;
	s22 =	sadd.s32 $0x40, s22;
	[tilespmem:v6+s2+$0x0] =	vst.idx.add.f32.msk $0xffff, v9  }
0xdf: {  	v6 =	vor.u32 $0x300, v1;
	_ =	sdelay $0x2  }
0xe0: {  	v8 =	vld [tilespmem:s29+$0x14000]  }
0xe1: {  	[tilespmem:v5+s2+$0x0] =	vst.idx.add.f32.msk $0xffff, v7  }
0xe2: {  	[tilespmem:v6+s2+$0x0] =	vst.idx.add.f32.msk $0xffff, v4  }
0xe3: {  	v4 =	vld [tilespmem:s24+$0x14000]  }
0xe4: {  	v1 =	vor.u32 $0x380, v1;
	v5 =	vld [tilespmem:s25+$0x14000];
	_ =	sdelay $0x2  }
0xe5: {  	[tilespmem:v3+s2+$0x0] =	vst.idx.add.f32.msk $0xffff, v8  }
0xe6: {  	s0 =	sadd.s32 $0xA00, s18;
	s18 =	simm.s32 $0x0;
	[tilespmem:v2+s2+$0x0] =	vst.idx.add.f32.msk $0xffff, v4  }
0xe7: {  	s5 =	simm.s32 $0x14000;
	s1 =	sadd.s32 s0, s3;
	s0 =	sshrl.u32 s0, $0x2;
	[tilespmem:v1+s2+$0x0] =	vst.idx.add.f32.msk $0xffff, v5  }
0xe8: {  	[tilespmem:s5], [sflag:$0x1] =	stream.linear.gather [hbm4b:s1+s18], $0x2800, $0x38;
	[tilespmem:$0x19A00] =	vst v63  }
0xe9: {  	s0 =	sadd.s32 s0, s4;
	s24 =	simm.s32 $0x19000  }
0xea: {  	[tilespmem:s24], [sflag:$0x1] =	stream.strided.gather [hbm4b:s0+s8], $0x500, s9, s8, $0x38;
	[tilespmem:$0x19A00] =	vst v63  }
0xeb: {  	_ =	swait.ge [sflag:s14], $0x2800  }
0xec: {  	[sflag:s14] =	ssyncset.done $0x0  }
0xed: {  	[sflag:s14] =	ssyncadd.s32 $0xFFFFD800  }
0xee: {  	s26 =	sand.u32 $0x780, s18;
	s25 =	sand.u32 $0x40, s18;
	_ =	swait.ge [sflag:s14], $0x500  }
0xef: {  	s29 =	sor.u32 $0x30, s25;
	s1 =	sadd.s32 $0x19500, s26;
	[sflag:s14] =	ssyncset.done $0x0  }
0xf0: {  	s6 =	sor.u32 s29, s1;
	[sflag:s14] =	ssyncadd.s32 $0xFFFFFB00  }
0xf1: {  	s7 =	simm.s32 $0x19500;
	s11 =	sor.u32 $0x10, s25;
	v1 =	vld [tilespmem:s6+$0x0]  }
0xf2: {  	s30 =	sor.u32 $0x20, s25;
	s31 =	sor.u32 s11, s1;
	v2 =	vld [tilespmem:s7+$0x0]  }
0xf3: {  	s1 =	sor.u32 s30, s1;
	v3 =	vld [tilespmem:s31+$0x0]  }
0xf4: {  	v4 =	vld [tilespmem:s1+$0x0]  }
0xf5: {  	s7 =	sand.u32 $0x3C00, s18  }
0xf6: {  	s1 =	sadd.s32 $0x16800, s7;
	v5 =	vshll.u32 v1, $0x3  }
0xf7: {  	s5 =	sor.u32 s29, s1;
	v1 =	vand.u32 $0x7F, v1;
	v5 =	vand.u32 $0xFFFFFC00, v5  }
0xf8: {  	v8 =	vld [tilespmem:s5+$0x0];
	v6 =	vshll.u32 v2, $0x3;
	v7 =	vshll.u32 v3, $0x3;
	v5 =	vor.u32 v1, v5  }
0xf9: {  	s10 =	sor.u32 s11, s1;
	v3 =	vand.u32 $0x7F, v3;
	v1 =	vand.u32 $0xFFFFFC00, v7;
	v7 =	vshll.u32 v4, $0x3  }
0xfa: {  	s6 =	sor.u32 s30, s1;
	v9 =	vld [tilespmem:s10+$0x0];
	v4 =	vand.u32 $0x7F, v4;
	v7 =	vand.u32 $0xFFFFFC00, v7;
	v3 =	vor.u32 v3, v1  }
0xfb: {  	s0 =	sor.u32 s25, s1;
	v1 =	vand.u32 $0x7F, v2;
	v2 =	vand.u32 $0xFFFFFC00, v6;
	v6 =	vor.u32 v4, v7;
	v4 =	vld [tilespmem:s6+$0x0]  }
0xfc: {  	v7 =	vld [tilespmem:s0+$0x0];
	v1 =	vor.u32 v1, v2  }
0xfd: {  	[tilespmem:v5+s2+$0x0] =	vst.idx.add.f32.msk $0xffff, v8  }
0xfe: {  	v2 =	vld [tilespmem:s5+$0x80]  }
0xff: {  	[tilespmem:v3+s2+$0x0] =	vst.idx.add.f32.msk $0xffff, v9  }
0x100: {  	v8 =	vor.u32 $0x80, v5;
	[tilespmem:v6+s2+$0x0] =	vst.idx.add.f32.msk $0xffff, v4  }
0x101: {  	[tilespmem:v1+s2+$0x0] =	vst.idx.add.f32.msk $0xffff, v7  }
0x102: {  	v4 =	vor.u32 $0x80, v3;
	v7 =	vld [tilespmem:s10+$0x80]  }
0x103: {  	v10 =	vor.u32 $0x80, v6;
	v54 =	vld [tilespmem:s6+$0x80]  }
0x104: {  	v12 =	vor.u32 $0x80, v1;
	v11 =	vld [tilespmem:s0+$0x80]  }
0x105: {  	[tilespmem:v8+s2+$0x0] =	vst.idx.add.f32.msk $0xffff, v2  }
0x106: {  	v2 =	vld [tilespmem:s5+$0x100]  }
0x107: {  	v8 =	vor.u32 $0x100, v5;
	[tilespmem:v4+s2+$0x0] =	vst.idx.add.f32.msk $0xffff, v7  }
0x108: {  	[tilespmem:v10+s2+$0x0] =	vst.idx.add.f32.msk $0xffff, v54  }
0x109: {  	[tilespmem:v12+s2+$0x0] =	vst.idx.add.f32.msk $0xffff, v11  }
0x10a: {  	v55 =	vor.u32 $0x100, v6;
	v10 =	vld [tilespmem:s6+$0x100]  }
0x10b: {  	v56 =	vor.u32 $0x100, v1;
	v11 =	vld [tilespmem:s0+$0x100]  }
0x10c: {  	[tilespmem:v8+s2+$0x0] =	vst.idx.add.f32.msk $0xffff, v2  }
0x10d: {  	p0 =	por $0x0, $0x0;
	s1 =	simm.s32 $0x1;
	v7 =	vor.u32 $0x180, v5;
	v2 =	vld [tilespmem:s5+$0x180]  }
0x10e: {  	s1 =	simm.s32 @!p0 $0x0;
	v4 =	vld [tilespmem:s10+$0x100]  }
0x10f: {  	s1 =	sshll.u32 s1, $0x6;
	[tilespmem:v55+s2+$0x0] =	vst.idx.add.f32.msk $0xffff, v10  }
0x110: {  	s20 =	sadd.s32 $0x0, s1;
	v8 =	vor.u32 $0x100, v3;
	[tilespmem:v56+s2+$0x0] =	vst.idx.add.f32.msk $0xffff, v11  }
0x111: {  	s1 =	sadd.s32 $0x30, s20;
	v9 =	vld [tilespmem:s6+$0x180]  }
0x112: {  	s11 =	sor.u32 $0x200, s1;
	v57 =	vor.u32 $0x180, v6;
	[tilespmem:v7+s2+$0x0] =	vst.idx.add.f32.msk $0xffff, v2  }
0x113: {  	v7 =	vor.u32 $0x200, v5;
	v2 =	vld [tilespmem:s11+$0x16800]  }
0x114: {  	v11 =	vld [tilespmem:s0+$0x180]  }
0x115: {  	v58 =	vor.u32 $0x180, v1;
	[tilespmem:v8+s2+$0x0] =	vst.idx.add.f32.msk $0xffff, v4  }
0x116: {  	v8 =	vld [tilespmem:s10+$0x180]  }
0x117: {  	v4 =	vor.u32 $0x180, v3;
	[tilespmem:v57+s2+$0x0] =	vst.idx.add.f32.msk $0xffff, v9  }
0x118: {  	s12 =	sor.u32 $0x280, s1;
	[tilespmem:v7+s2+$0x0] =	vst.idx.add.f32.msk $0xffff, v2  }
0x119: {  	v7 =	vor.u32 $0x280, v5;
	v2 =	vld [tilespmem:s12+$0x16800]  }
0x11a: {  	s23 =	sor.u32 $0x200, s20;
	[tilespmem:v58+s2+$0x0] =	vst.idx.add.f32.msk $0xffff, v11  }
0x11b: {  	s15 =	sadd.s32 $0x10, s20;
	v11 =	vld [tilespmem:s23+$0x16800]  }
0x11c: {  	s16 =	sor.u32 $0x200, s15;
	v60 =	vor.u32 $0x200, v1;
	[tilespmem:v4+s2+$0x0] =	vst.idx.add.f32.msk $0xffff, v8  }
0x11d: {  	v4 =	vld [tilespmem:s16+$0x16800]  }
0x11e: {  	s21 =	sadd.s32 $0x20, s20;
	s19 =	sor.u32 $0x300, s1;
	v8 =	vor.u32 $0x200, v3;
	[tilespmem:v7+s2+$0x0] =	vst.idx.add.f32.msk $0xffff, v2  }
0x11f: {  	s22 =	sor.u32 $0x200, s21;
	v7 =	vor.u32 $0x300, v5;
	v2 =	vld [tilespmem:s19+$0x16800]  }
0x120: {  	v10 =	vld [tilespmem:s22+$0x16800]  }
0x121: {  	s26 =	sor.u32 $0x280, s20;
	v59 =	vor.u32 $0x200, v6;
	[tilespmem:v60+s2+$0x0] =	vst.idx.add.f32.msk $0xffff, v11  }
0x122: {  	v61 =	vld [tilespmem:s26+$0x16800]  }
0x123: {  	v62 =	vor.u32 $0x280, v1;
	[tilespmem:v8+s2+$0x0] =	vst.idx.add.f32.msk $0xffff, v4  }
0x124: {  	s24 =	sor.u32 $0x280, s15;
	[tilespmem:v7+s2+$0x0] =	vst.idx.add.f32.msk $0xffff, v2  }
0x125: {  	v4 =	vor.u32 $0x380, v5;
	v5 =	vor.u32 $0x280, v3;
	v7 =	vld [tilespmem:s24+$0x16800]  }
0x126: {  	s25 =	sor.u32 $0x280, s21;
	[tilespmem:v59+s2+$0x0] =	vst.idx.add.f32.msk $0xffff, v10  }
0x127: {  	v9 =	vld [tilespmem:s25+$0x16800];
	v8 =	vor.u32 $0x280, v6  }
0x128: {  	s1 =	sor.u32 $0x380, s1;
	[tilespmem:v62+s2+$0x0] =	vst.idx.add.f32.msk $0xffff, v61  }
0x129: {  	v2 =	vld [tilespmem:s1+$0x16800]  }
0x12a: {  	s29 =	sor.u32 $0x300, s15;
	[tilespmem:v5+s2+$0x0] =	vst.idx.add.f32.msk $0xffff, v7  }
0x12b: {  	v63 =	vor.u32 $0x300, v3;
	v13 =	vld [tilespmem:s29+$0x16800]  }
0x12c: {  	s30 =	sor.u32 $0x300, s21;
	[tilespmem:v8+s2+$0x0] =	vst.idx.add.f32.msk $0xffff, v9  }
0x12d: {  	v7 =	vld [tilespmem:s30+$0x16800]  }
0x12e: {  	s31 =	sor.u32 $0x300, s20;
	v5 =	vor.u32 $0x300, v6;
	[tilespmem:v4+s2+$0x0] =	vst.idx.add.f32.msk $0xffff, v2  }
0x12f: {  	s28 =	sor.u32 $0x380, s15;
	s23 =	sor.u32 $0x380, s21;
	s21 =	simm.s32 $0x19540;
	v4 =	vld [tilespmem:s31+$0x16800]  }
0x130: {  	v3 =	vor.u32 $0x380, v3;
	s19 =	simm.s32 $0x0;
	s24 =	sor.u32 $0x380, s20;
	s20 =	simm.s32 $0x40;
	v2 =	vor.u32 $0x380, v6;
	[tilespmem:v63+s2+$0x0] =	vst.idx.add.f32.msk $0xffff, v13  }
.LBB2_20:
0x131: {  	s0 =	sand.u32 $0x40, s20;
	s1 =	sand.u32 $0x780, s20;
	s19 =	sadd.s32 $0x4, s19;
	v6 =	vld [tilespmem:s28+$0x16800]  }
0x132: {  	v9 =	vor.u32 $0x300, v1;
	v8 =	vld [tilespmem:s21+$0x0];
	s1 =	sadd.s32 $0x19500, s1;
	s5 =	sor.u32 $0x30, s0;
	p1 =	slt.u32 s19, $0x4C  }
0x133: {  	s6 =	sor.u32 $0x10, s0;
	s7 =	sor.u32 $0x20, s0;
	s11 =	sor.u32 s5, s1;
	[tilespmem:v5+s2+$0x0] =	vst.idx.add.f32.msk $0xffff, v7  }
0x134: {  	s12 =	sor.u32 s6, s1;
	s1 =	sor.u32 s7, s1;
	v5 =	vld [tilespmem:s11+$0x0]  }
0x135: {  	v7 =	vld [tilespmem:s12+$0x0]  }
0x136: {  	v10 =	vld [tilespmem:s1+$0x0]  }
0x137: {  	s18 =	sadd.s32 $0x200, s18;
	[tilespmem:v9+s2+$0x0] =	vst.idx.add.f32.msk $0xffff, v4  }
0x138: {  	s1 =	sand.u32 $0x3C00, s18;
	v4 =	vshll.u32 v8, $0x3;
	v9 =	vld [tilespmem:s23+$0x16800]  }
0x139: {  	s11 =	sadd.s32 $0x16800, s1;
	v11 =	vand.u32 $0x7F, v8;
	v12 =	vand.u32 $0xFFFFFC00, v4;
	v8 =	vshll.u32 v5, $0x3;
	v4 =	vld [tilespmem:s24+$0x16800]  }
0x13a: {  	s22 =	sor.u32 s0, s11;
	s25 =	sor.u32 s6, s11;
	s1 =	sor.u32 s5, s11;
	v5 =	vand.u32 $0x7F, v5;
	v13 =	vshll.u32 v7, $0x3;
	v8 =	vand.u32 $0xFFFFFC00, v8;
	[tilespmem:v3+s2+$0x0] =	vst.idx.add.f32.msk $0xffff, v6  }
0x13b: {  	s26 =	sor.u32 s7, s11;
	v3 =	vand.u32 $0xFFFFFC00, v13;
	v6 =	vshll.u32 v10, $0x3;
	v13 =	vld [tilespmem:s1+$0x0];
	v8 =	vor.u32 v5, v8  }
0x13c: {  	v5 =	vand.u32 $0x7F, v7;
	v10 =	vand.u32 $0x7F, v10;
	v14 =	vld [tilespmem:s22+$0x0];
	v6 =	vand.u32 $0xFFFFFC00, v6  }
0x13d: {  	v7 =	vor.u32 v11, v12;
	v3 =	vor.u32 v5, v3;
	v11 =	vld [tilespmem:s25+$0x0];
	v12 =	vor.u32 v10, v6  }
0x13e: {  	v15 =	vor.u32 $0x80, v3;
	v16 =	vor.u32 $0x100, v3;
	v17 =	vld [tilespmem:s26+$0x0];
	v18 =	vor.u32 $0x80, v12  }
0x13f: {  	v19 =	vor.u32 $0x180, v3;
	v20 =	vor.u32 $0x100, v12;
	v21 =	vor.u32 $0x180, v12;
	[tilespmem:v2+s2+$0x0] =	vst.idx.add.f32.msk $0xffff, v9  }
0x140: {  	v22 =	vor.u32 $0x200, v3;
	v23 =	vor.u32 $0x200, v12;
	v9 =	vor.u32 $0x280, v3;
	[tilespmem:v8+s2+$0x0] =	vst.idx.add.f32.msk $0xffff, v13  }
0x141: {  	v24 =	vor.u32 $0x80, v8;
	v6 =	vor.u32 $0x300, v3;
	v10 =	vor.u32 $0x280, v12;
	v13 =	vld [tilespmem:s1+$0x80]  }
0x142: {  	v5 =	vor.u32 $0x300, v12;
	v2 =	vor.u32 $0x380, v12;
	[tilespmem:v3+s2+$0x0] =	vst.idx.add.f32.msk $0xffff, v11;
	v3 =	vor.u32 $0x380, v3  }
0x143: {  	[tilespmem:v12+s2+$0x0] =	vst.idx.add.f32.msk $0xffff, v17  }
0x144: {  	[tilespmem:v7+s2+$0x0] =	vst.idx.add.f32.msk $0xffff, v14  }
0x145: {  	v11 =	vld [tilespmem:s25+$0x80]  }
0x146: {  	[tilespmem:v24+s2+$0x0] =	vst.idx.add.f32.msk $0xffff, v13  }
0x147: {  	v13 =	vor.u32 $0x100, v8;
	v12 =	vld [tilespmem:s1+$0x100]  }
0x148: {  	v14 =	vld [tilespmem:s26+$0x80]  }
0x149: {  	v17 =	vld [tilespmem:s22+$0x80]  }
0x14a: {  	v24 =	vor.u32 $0x80, v7;
	[tilespmem:v15+s2+$0x0] =	vst.idx.add.f32.msk $0xffff, v11  }
0x14b: {  	v11 =	vld [tilespmem:s25+$0x100]  }
0x14c: {  	[tilespmem:v13+s2+$0x0] =	vst.idx.add.f32.msk $0xffff, v12  }
0x14d: {  	p0 =	por !p0, !p0;
	s0 =	simm.s32 $0x1;
	v13 =	vor.u32 $0x180, v8;
	v12 =	vld [tilespmem:s1+$0x180]  }
0x14e: {  	s0 =	simm.s32 @!p0 $0x0;
	[tilespmem:v18+s2+$0x0] =	vst.idx.add.f32.msk $0xffff, v14  }
0x14f: {  	s0 =	sshll.u32 s0, $0x6;
	[tilespmem:v24+s2+$0x0] =	vst.idx.add.f32.msk $0xffff, v17  }
0x150: {  	s7 =	sadd.s32 s0, s18;
	v14 =	vld [tilespmem:s26+$0x100]  }
0x151: {  	s11 =	sadd.s32 $0x10, s7;
	s12 =	sadd.s32 $0x20, s7;
	s15 =	sadd.s32 $0x30, s7;
	v17 =	vor.u32 $0x100, v7;
	v15 =	vld [tilespmem:s22+$0x100]  }
0x152: {  	s16 =	sor.u32 $0x200, s11;
	s31 =	sor.u32 $0x200, s12;
	s1 =	sor.u32 $0x200, s15;
	[tilespmem:v13+s2+$0x0] =	vst.idx.add.f32.msk $0xffff, v12  }
0x153: {  	s10 =	sor.u32 $0x200, s7;
	s6 =	sor.u32 $0x280, s11;
	s0 =	sor.u32 $0x280, s12;
	v13 =	vor.u32 $0x200, v8;
	v12 =	vld [tilespmem:s1+$0x16800]  }
0x154: {  	s5 =	sor.u32 $0x280, s7;
	s30 =	sor.u32 $0x300, s12;
	s1 =	sor.u32 $0x300, s11;
	[tilespmem:v16+s2+$0x0] =	vst.idx.add.f32.msk $0xffff, v11  }
0x155: {  	s29 =	sor.u32 $0x300, s7;
	s28 =	sor.u32 $0x380, s11;
	s23 =	sor.u32 $0x380, s12;
	[tilespmem:v20+s2+$0x0] =	vst.idx.add.f32.msk $0xffff, v14  }
0x156: {  	s24 =	sor.u32 $0x380, s7;
	[tilespmem:v17+s2+$0x0] =	vst.idx.add.f32.msk $0xffff, v15  }
0x157: {  	v11 =	vld [tilespmem:s25+$0x180]  }
0x158: {  	s7 =	sor.u32 $0x280, s15;
	[tilespmem:v13+s2+$0x0] =	vst.idx.add.f32.msk $0xffff, v12  }
0x159: {  	v13 =	vor.u32 $0x280, v8;
	v12 =	vld [tilespmem:s7+$0x16800]  }
0x15a: {  	v14 =	vld [tilespmem:s26+$0x180]  }
0x15b: {  	v15 =	vld [tilespmem:s22+$0x180]  }
0x15c: {  	v16 =	vor.u32 $0x180, v7;
	[tilespmem:v19+s2+$0x0] =	vst.idx.add.f32.msk $0xffff, v11  }
0x15d: {  	v11 =	vld [tilespmem:s16+$0x16800]  }
0x15e: {  	s7 =	sor.u32 $0x300, s15;
	[tilespmem:v13+s2+$0x0] =	vst.idx.add.f32.msk $0xffff, v12  }
0x15f: {  	v13 =	vor.u32 $0x300, v8;
	v12 =	vld [tilespmem:s7+$0x16800]  }
0x160: {  	[tilespmem:v21+s2+$0x0] =	vst.idx.add.f32.msk $0xffff, v14  }
0x161: {  	[tilespmem:v16+s2+$0x0] =	vst.idx.add.f32.msk $0xffff, v15  }
0x162: {  	v14 =	vld [tilespmem:s31+$0x16800]  }
0x163: {  	v16 =	vor.u32 $0x200, v7;
	v15 =	vld [tilespmem:s10+$0x16800]  }
0x164: {  	s7 =	sor.u32 $0x380, s15;
	[tilespmem:v13+s2+$0x0] =	vst.idx.add.f32.msk $0xffff, v12  }
0x165: {  	v8 =	vor.u32 $0x380, v8;
	v12 =	vld [tilespmem:s7+$0x16800]  }
0x166: {  	[tilespmem:v22+s2+$0x0] =	vst.idx.add.f32.msk $0xffff, v11  }
0x167: {  	[tilespmem:v23+s2+$0x0] =	vst.idx.add.f32.msk $0xffff, v14  }
0x168: {  	v11 =	vor.u32 $0x380, v1;
	v1 =	vmov v7;
	[tilespmem:v16+s2+$0x0] =	vst.idx.add.f32.msk $0xffff, v15  }
0x169: {  	v7 =	vld [tilespmem:s6+$0x16800]  }
0x16a: {  	[tilespmem:v8+s2+$0x0] =	vst.idx.add.f32.msk $0xffff, v12  }
0x16b: {  	v8 =	vld [tilespmem:s0+$0x16800]  }
0x16c: {  	v13 =	vor.u32 $0x280, v1;
	v12 =	vld [tilespmem:s5+$0x16800]  }
0x16d: {  	[tilespmem:v11+s2+$0x0] =	vst.idx.add.f32.msk $0xffff, v4  }
0x16e: {  	[tilespmem:v9+s2+$0x0] =	vst.idx.add.f32.msk $0xffff, v7  }
0x16f: {  	v9 =	vld [tilespmem:s1+$0x16800]  }
.Ltmp9:
0x170: {  	[tilespmem:v10+s2+$0x0] =	vst.idx.add.f32.msk $0xffff, v8;
	(pc) =	sbr.rel @p1 .LBB2_20-.Ltmp9, $4  }
0x171: {  	[tilespmem:v13+s2+$0x0] =	vst.idx.add.f32.msk $0xffff, v12  }
0x172: {  	v7 =	vld [tilespmem:s30+$0x16800]  }
0x173: {  	v4 =	vld [tilespmem:s29+$0x16800]  }
0x174: {  	s20 =	sadd.s32 $0x40, s20;
	s21 =	sadd.s32 $0x40, s21;
	[tilespmem:v6+s2+$0x0] =	vst.idx.add.f32.msk $0xffff, v9  }
0x175: {  	_ = 	snop  }
0x176: {  	v6 =	vor.u32 $0x300, v1;
	_ =	sdelay $0x1  }
0x177: {  	v8 =	vld [tilespmem:s28+$0x16800]  }
0x178: {  	[tilespmem:v5+s2+$0x0] =	vst.idx.add.f32.msk $0xffff, v7  }
0x179: {  	v62 =	vld [tilespmem:s23+$0x16800]  }
0x17a: {  	s17 =	sadd.s32 $0x1, s17;
	[tilespmem:v6+s2+$0x0] =	vst.idx.add.f32.msk $0xffff, v4  }
0x17b: {  	v1 =	vor.u32 $0x380, v1;
	p0 =	sne.s32 s17, $0x3E;
	v63 =	vld [tilespmem:s24+$0x16800]  }
.Ltmp10:
0x17c: {  	_ = 	snop;
	(pc) =	sbr.rel @p0 .LBB2_17-.Ltmp10, $4  }
0x17d: {  	_ = 	snop  }
0x17e: {  	[tilespmem:v3+s2+$0x0] =	vst.idx.add.f32.msk $0xffff, v8  }
0x17f: {  	[tilespmem:v2+s2+$0x0] =	vst.idx.add.f32.msk $0xffff, v62  }
0x180: {  	[tilespmem:v1+s2+$0x0] =	vst.idx.add.f32.msk $0xffff, v63  }
0x181: {  	_ =	swait.ge [sflag:s13], $0x2800  }
0x182: {  	[sflag:s13] =	ssyncset.done $0x0  }
0x183: {  	s17 =	simm.s32 $0x0;
	[sflag:s13] =	ssyncadd.s32 $0xFFFFD800  }
0x184: {  	s0 =	sand.u32 $0x40, s17;
	s1 =	sand.u32 $0x780, s17;
	_ =	swait.ge [sflag:s13], $0x500  }
0x185: {  	s1 =	sor.u32 $0x19000, s1;
	s5 =	sor.u32 $0x30, s0;
	[sflag:s13] =	ssyncset.done $0x0  }
0x186: {  	s6 =	sor.u32 s5, s1;
	[sflag:s13] =	ssyncadd.s32 $0xFFFFFB00  }
0x187: {  	s7 =	simm.s32 $0x19000;
	s10 =	sor.u32 $0x10, s0;
	v1 =	vld [tilespmem:s6+$0x0]  }
0x188: {  	s30 =	sor.u32 $0x20, s0;
	s31 =	sor.u32 s10, s1;
	v2 =	vld [tilespmem:s7+$0x0]  }
0x189: {  	s1 =	sor.u32 s30, s1;
	v3 =	vld [tilespmem:s31+$0x0]  }
0x18a: {  	v4 =	vld [tilespmem:s1+$0x0]  }
0x18b: {  	s7 =	sand.u32 $0x3C00, s17  }
0x18c: {  	s1 =	sor.u32 $0x14000, s7;
	v5 =	vshll.u32 v1, $0x3  }
0x18d: {  	s5 =	sor.u32 s5, s1;
	v1 =	vand.u32 $0x7F, v1;
	v5 =	vand.u32 $0xFFFFFC00, v5  }
0x18e: {  	v8 =	vld [tilespmem:s5+$0x0];
	v6 =	vshll.u32 v2, $0x3;
	v7 =	vshll.u32 v3, $0x3;
	v5 =	vor.u32 v1, v5  }
0x18f: {  	s11 =	sor.u32 s10, s1;
	v3 =	vand.u32 $0x7F, v3;
	v1 =	vand.u32 $0xFFFFFC00, v7;
	v7 =	vshll.u32 v4, $0x3  }
0x190: {  	s6 =	sor.u32 s30, s1;
	v9 =	vld [tilespmem:s11+$0x0];
	v4 =	vand.u32 $0x7F, v4;
	v7 =	vand.u32 $0xFFFFFC00, v7;
	v3 =	vor.u32 v3, v1  }
0x191: {  	s0 =	sor.u32 s0, s1;
	v1 =	vand.u32 $0x7F, v2;
	v2 =	vand.u32 $0xFFFFFC00, v6;
	v6 =	vor.u32 v4, v7;
	v4 =	vld [tilespmem:s6+$0x0]  }
0x192: {  	v7 =	vld [tilespmem:s0+$0x0];
	v1 =	vor.u32 v1, v2  }
0x193: {  	[tilespmem:v5+s2+$0x0] =	vst.idx.add.f32.msk $0xffff, v8  }
0x194: {  	v2 =	vld [tilespmem:s5+$0x80]  }
0x195: {  	[tilespmem:v3+s2+$0x0] =	vst.idx.add.f32.msk $0xffff, v9  }
0x196: {  	v8 =	vor.u32 $0x80, v5;
	[tilespmem:v6+s2+$0x0] =	vst.idx.add.f32.msk $0xffff, v4  }
0x197: {  	[tilespmem:v1+s2+$0x0] =	vst.idx.add.f32.msk $0xffff, v7  }
0x198: {  	v4 =	vor.u32 $0x80, v3;
	v7 =	vld [tilespmem:s11+$0x80]  }
0x199: {  	v10 =	vor.u32 $0x80, v6;
	v54 =	vld [tilespmem:s6+$0x80]  }
0x19a: {  	v12 =	vor.u32 $0x80, v1;
	v11 =	vld [tilespmem:s0+$0x80]  }
0x19b: {  	[tilespmem:v8+s2+$0x0] =	vst.idx.add.f32.msk $0xffff, v2  }
0x19c: {  	v2 =	vld [tilespmem:s5+$0x100]  }
0x19d: {  	v8 =	vor.u32 $0x100, v5;
	[tilespmem:v4+s2+$0x0] =	vst.idx.add.f32.msk $0xffff, v7  }
0x19e: {  	[tilespmem:v10+s2+$0x0] =	vst.idx.add.f32.msk $0xffff, v54  }
0x19f: {  	[tilespmem:v12+s2+$0x0] =	vst.idx.add.f32.msk $0xffff, v11  }
0x1a0: {  	v55 =	vor.u32 $0x100, v6;
	v10 =	vld [tilespmem:s6+$0x100]  }
0x1a1: {  	v56 =	vor.u32 $0x100, v1;
	v11 =	vld [tilespmem:s0+$0x100]  }
0x1a2: {  	[tilespmem:v8+s2+$0x0] =	vst.idx.add.f32.msk $0xffff, v2  }
0x1a3: {  	p0 =	por $0x0, $0x0;
	s1 =	simm.s32 $0x1;
	v7 =	vor.u32 $0x180, v5;
	v2 =	vld [tilespmem:s5+$0x180]  }
0x1a4: {  	s1 =	simm.s32 @!p0 $0x0;
	v4 =	vld [tilespmem:s11+$0x100]  }
0x1a5: {  	s1 =	sshll.u32 s1, $0x6;
	[tilespmem:v55+s2+$0x0] =	vst.idx.add.f32.msk $0xffff, v10  }
0x1a6: {  	s19 =	sadd.s32 $0x0, s1;
	v8 =	vor.u32 $0x100, v3;
	[tilespmem:v56+s2+$0x0] =	vst.idx.add.f32.msk $0xffff, v11  }
0x1a7: {  	s1 =	sadd.s32 $0x30, s19;
	v9 =	vld [tilespmem:s6+$0x180]  }
0x1a8: {  	s12 =	sor.u32 $0x200, s1;
	v57 =	vor.u32 $0x180, v6;
	[tilespmem:v7+s2+$0x0] =	vst.idx.add.f32.msk $0xffff, v2  }
0x1a9: {  	v7 =	vor.u32 $0x200, v5;
	v2 =	vld [tilespmem:s12+$0x14000]  }
0x1aa: {  	v11 =	vld [tilespmem:s0+$0x180]  }
0x1ab: {  	v58 =	vor.u32 $0x180, v1;
	[tilespmem:v8+s2+$0x0] =	vst.idx.add.f32.msk $0xffff, v4  }
0x1ac: {  	v8 =	vld [tilespmem:s11+$0x180]  }
0x1ad: {  	v4 =	vor.u32 $0x180, v3;
	[tilespmem:v57+s2+$0x0] =	vst.idx.add.f32.msk $0xffff, v9  }
0x1ae: {  	s15 =	sor.u32 $0x280, s1;
	[tilespmem:v7+s2+$0x0] =	vst.idx.add.f32.msk $0xffff, v2  }
0x1af: {  	v7 =	vor.u32 $0x280, v5;
	v2 =	vld [tilespmem:s15+$0x14000]  }
0x1b0: {  	s24 =	sor.u32 $0x200, s19;
	[tilespmem:v58+s2+$0x0] =	vst.idx.add.f32.msk $0xffff, v11  }
0x1b1: {  	s16 =	sadd.s32 $0x10, s19;
	v11 =	vld [tilespmem:s24+$0x14000]  }
0x1b2: {  	s20 =	sor.u32 $0x200, s16;
	v60 =	vor.u32 $0x200, v1;
	[tilespmem:v4+s2+$0x0] =	vst.idx.add.f32.msk $0xffff, v8  }
0x1b3: {  	v4 =	vld [tilespmem:s20+$0x14000]  }
0x1b4: {  	s22 =	sadd.s32 $0x20, s19;
	s21 =	sor.u32 $0x300, s1;
	v8 =	vor.u32 $0x200, v3;
	[tilespmem:v7+s2+$0x0] =	vst.idx.add.f32.msk $0xffff, v2  }
0x1b5: {  	s23 =	sor.u32 $0x200, s22;
	v7 =	vor.u32 $0x300, v5;
	v2 =	vld [tilespmem:s21+$0x14000]  }
0x1b6: {  	v10 =	vld [tilespmem:s23+$0x14000]  }
0x1b7: {  	s28 =	sor.u32 $0x280, s19;
	v59 =	vor.u32 $0x200, v6;
	[tilespmem:v60+s2+$0x0] =	vst.idx.add.f32.msk $0xffff, v11  }
0x1b8: {  	v61 =	vld [tilespmem:s28+$0x14000]  }
0x1b9: {  	v62 =	vor.u32 $0x280, v1;
	[tilespmem:v8+s2+$0x0] =	vst.idx.add.f32.msk $0xffff, v4  }
0x1ba: {  	s25 =	sor.u32 $0x280, s16;
	[tilespmem:v7+s2+$0x0] =	vst.idx.add.f32.msk $0xffff, v2  }
0x1bb: {  	v4 =	vor.u32 $0x380, v5;
	v5 =	vor.u32 $0x280, v3;
	v7 =	vld [tilespmem:s25+$0x14000]  }
0x1bc: {  	s26 =	sor.u32 $0x280, s22;
	[tilespmem:v59+s2+$0x0] =	vst.idx.add.f32.msk $0xffff, v10  }
0x1bd: {  	v9 =	vld [tilespmem:s26+$0x14000];
	v8 =	vor.u32 $0x280, v6  }
0x1be: {  	s1 =	sor.u32 $0x380, s1;
	[tilespmem:v62+s2+$0x0] =	vst.idx.add.f32.msk $0xffff, v61  }
0x1bf: {  	v2 =	vld [tilespmem:s1+$0x14000]  }
0x1c0: {  	s29 =	sor.u32 $0x300, s16;
	[tilespmem:v5+s2+$0x0] =	vst.idx.add.f32.msk $0xffff, v7  }
0x1c1: {  	v63 =	vor.u32 $0x300, v3;
	v13 =	vld [tilespmem:s29+$0x14000]  }
0x1c2: {  	s30 =	sor.u32 $0x300, s22;
	[tilespmem:v8+s2+$0x0] =	vst.idx.add.f32.msk $0xffff, v9  }
0x1c3: {  	v7 =	vld [tilespmem:s30+$0x14000]  }
0x1c4: {  	s31 =	sor.u32 $0x300, s19;
	v5 =	vor.u32 $0x300, v6;
	[tilespmem:v4+s2+$0x0] =	vst.idx.add.f32.msk $0xffff, v2  }
0x1c5: {  	s18 =	simm.s32 $0x0;
	s22 =	sor.u32 $0x380, s22;
	s23 =	sor.u32 $0x380, s19;
	v4 =	vld [tilespmem:s31+$0x14000]  }
0x1c6: {  	s19 =	simm.s32 $0x40;
	s20 =	simm.s32 $0x19040;
	s26 =	sor.u32 $0x380, s16;
	v3 =	vor.u32 $0x380, v3;
	v2 =	vor.u32 $0x380, v6;
	[tilespmem:v63+s2+$0x0] =	vst.idx.add.f32.msk $0xffff, v13  }
.LBB2_23:
0x1c7: {  	s0 =	sand.u32 $0x40, s19;
	s1 =	sand.u32 $0x780, s19;
	s18 =	sadd.s32 $0x4, s18;
	v6 =	vld [tilespmem:s26+$0x14000]  }
0x1c8: {  	v9 =	vor.u32 $0x300, v1;
	v8 =	vld [tilespmem:s20+$0x0];
	s1 =	sor.u32 $0x19000, s1;
	s5 =	sor.u32 $0x30, s0;
	p1 =	slt.u32 s18, $0x4C  }
0x1c9: {  	s6 =	sor.u32 $0x10, s0;
	s7 =	sor.u32 $0x20, s0;
	s10 =	sor.u32 s5, s1;
	[tilespmem:v5+s2+$0x0] =	vst.idx.add.f32.msk $0xffff, v7  }
0x1ca: {  	s11 =	sor.u32 s6, s1;
	s1 =	sor.u32 s7, s1;
	v5 =	vld [tilespmem:s10+$0x0]  }
0x1cb: {  	v7 =	vld [tilespmem:s11+$0x0]  }
0x1cc: {  	v10 =	vld [tilespmem:s1+$0x0]  }
0x1cd: {  	s17 =	sadd.s32 $0x200, s17;
	[tilespmem:v9+s2+$0x0] =	vst.idx.add.f32.msk $0xffff, v4  }
0x1ce: {  	s1 =	sand.u32 $0x3C00, s17;
	v4 =	vshll.u32 v8, $0x3;
	v9 =	vld [tilespmem:s22+$0x14000]  }
0x1cf: {  	s10 =	sor.u32 $0x14000, s1;
	v11 =	vand.u32 $0x7F, v8;
	v12 =	vand.u32 $0xFFFFFC00, v4;
	v8 =	vshll.u32 v5, $0x3;
	v4 =	vld [tilespmem:s23+$0x14000]  }
0x1d0: {  	s21 =	sor.u32 s0, s10;
	s24 =	sor.u32 s6, s10;
	s1 =	sor.u32 s5, s10;
	v5 =	vand.u32 $0x7F, v5;
	v13 =	vshll.u32 v7, $0x3;
	v8 =	vand.u32 $0xFFFFFC00, v8;
	[tilespmem:v3+s2+$0x0] =	vst.idx.add.f32.msk $0xffff, v6  }
0x1d1: {  	s25 =	sor.u32 s7, s10;
	v3 =	vand.u32 $0xFFFFFC00, v13;
	v6 =	vshll.u32 v10, $0x3;
	v13 =	vld [tilespmem:s1+$0x0];
	v8 =	vor.u32 v5, v8  }
0x1d2: {  	v5 =	vand.u32 $0x7F, v7;
	v10 =	vand.u32 $0x7F, v10;
	v14 =	vld [tilespmem:s21+$0x0];
	v6 =	vand.u32 $0xFFFFFC00, v6  }
0x1d3: {  	v7 =	vor.u32 v11, v12;
	v3 =	vor.u32 v5, v3;
	v11 =	vld [tilespmem:s24+$0x0];
	v12 =	vor.u32 v10, v6  }
0x1d4: {  	v15 =	vor.u32 $0x80, v3;
	v16 =	vor.u32 $0x100, v3;
	v17 =	vld [tilespmem:s25+$0x0];
	v18 =	vor.u32 $0x80, v12  }
0x1d5: {  	v19 =	vor.u32 $0x180, v3;
	v20 =	vor.u32 $0x100, v12;
	v21 =	vor.u32 $0x180, v12;
	[tilespmem:v2+s2+$0x0] =	vst.idx.add.f32.msk $0xffff, v9  }
0x1d6: {  	v22 =	vor.u32 $0x200, v3;
	v23 =	vor.u32 $0x200, v12;
	v9 =	vor.u32 $0x280, v3;
	[tilespmem:v8+s2+$0x0] =	vst.idx.add.f32.msk $0xffff, v13  }
0x1d7: {  	v24 =	vor.u32 $0x80, v8;
	v6 =	vor.u32 $0x300, v3;
	v10 =	vor.u32 $0x280, v12;
	v13 =	vld [tilespmem:s1+$0x80]  }
0x1d8: {  	v5 =	vor.u32 $0x300, v12;
	v2 =	vor.u32 $0x380, v12;
	[tilespmem:v3+s2+$0x0] =	vst.idx.add.f32.msk $0xffff, v11;
	v3 =	vor.u32 $0x380, v3  }
0x1d9: {  	[tilespmem:v12+s2+$0x0] =	vst.idx.add.f32.msk $0xffff, v17  }
0x1da: {  	[tilespmem:v7+s2+$0x0] =	vst.idx.add.f32.msk $0xffff, v14  }
0x1db: {  	v11 =	vld [tilespmem:s24+$0x80]  }
0x1dc: {  	[tilespmem:v24+s2+$0x0] =	vst.idx.add.f32.msk $0xffff, v13  }
0x1dd: {  	v13 =	vor.u32 $0x100, v8;
	v12 =	vld [tilespmem:s1+$0x100]  }
0x1de: {  	v14 =	vld [tilespmem:s25+$0x80]  }
0x1df: {  	v17 =	vld [tilespmem:s21+$0x80]  }
0x1e0: {  	v24 =	vor.u32 $0x80, v7;
	[tilespmem:v15+s2+$0x0] =	vst.idx.add.f32.msk $0xffff, v11  }
0x1e1: {  	v11 =	vld [tilespmem:s24+$0x100]  }
0x1e2: {  	[tilespmem:v13+s2+$0x0] =	vst.idx.add.f32.msk $0xffff, v12  }
0x1e3: {  	p0 =	por !p0, !p0;
	s0 =	simm.s32 $0x1;
	v13 =	vor.u32 $0x180, v8;
	v12 =	vld [tilespmem:s1+$0x180]  }
0x1e4: {  	s0 =	simm.s32 @!p0 $0x0;
	[tilespmem:v18+s2+$0x0] =	vst.idx.add.f32.msk $0xffff, v14  }
0x1e5: {  	s0 =	sshll.u32 s0, $0x6;
	[tilespmem:v24+s2+$0x0] =	vst.idx.add.f32.msk $0xffff, v17  }
0x1e6: {  	s7 =	sadd.s32 s0, s17;
	v14 =	vld [tilespmem:s25+$0x100]  }
0x1e7: {  	s10 =	sadd.s32 $0x10, s7;
	s11 =	sadd.s32 $0x20, s7;
	s12 =	sadd.s32 $0x30, s7;
	v17 =	vor.u32 $0x100, v7;
	v15 =	vld [tilespmem:s21+$0x100]  }
0x1e8: {  	s15 =	sor.u32 $0x200, s10;
	s16 =	sor.u32 $0x200, s11;
	s1 =	sor.u32 $0x200, s12;
	[tilespmem:v13+s2+$0x0] =	vst.idx.add.f32.msk $0xffff, v12  }
0x1e9: {  	s30 =	sor.u32 $0x200, s7;
	s6 =	sor.u32 $0x280, s10;
	s0 =	sor.u32 $0x280, s11;
	v13 =	vor.u32 $0x200, v8;
	v12 =	vld [tilespmem:s1+$0x14000]  }
0x1ea: {  	s5 =	sor.u32 $0x280, s7;
	s29 =	sor.u32 $0x300, s11;
	s1 =	sor.u32 $0x300, s10;
	[tilespmem:v16+s2+$0x0] =	vst.idx.add.f32.msk $0xffff, v11  }
0x1eb: {  	s28 =	sor.u32 $0x300, s7;
	s26 =	sor.u32 $0x380, s10;
	s22 =	sor.u32 $0x380, s11;
	[tilespmem:v20+s2+$0x0] =	vst.idx.add.f32.msk $0xffff, v14  }
0x1ec: {  	s23 =	sor.u32 $0x380, s7;
	[tilespmem:v17+s2+$0x0] =	vst.idx.add.f32.msk $0xffff, v15  }
0x1ed: {  	v11 =	vld [tilespmem:s24+$0x180]  }
0x1ee: {  	s7 =	sor.u32 $0x280, s12;
	[tilespmem:v13+s2+$0x0] =	vst.idx.add.f32.msk $0xffff, v12  }
0x1ef: {  	v13 =	vor.u32 $0x280, v8;
	v12 =	vld [tilespmem:s7+$0x14000]  }
0x1f0: {  	v14 =	vld [tilespmem:s25+$0x180]  }
0x1f1: {  	v15 =	vld [tilespmem:s21+$0x180]  }
0x1f2: {  	v16 =	vor.u32 $0x180, v7;
	[tilespmem:v19+s2+$0x0] =	vst.idx.add.f32.msk $0xffff, v11  }
0x1f3: {  	v11 =	vld [tilespmem:s15+$0x14000]  }
0x1f4: {  	s7 =	sor.u32 $0x300, s12;
	[tilespmem:v13+s2+$0x0] =	vst.idx.add.f32.msk $0xffff, v12  }
0x1f5: {  	v13 =	vor.u32 $0x300, v8;
	v12 =	vld [tilespmem:s7+$0x14000]  }
0x1f6: {  	[tilespmem:v21+s2+$0x0] =	vst.idx.add.f32.msk $0xffff, v14  }
0x1f7: {  	[tilespmem:v16+s2+$0x0] =	vst.idx.add.f32.msk $0xffff, v15  }
0x1f8: {  	v14 =	vld [tilespmem:s16+$0x14000]  }
0x1f9: {  	v16 =	vor.u32 $0x200, v7;
	v15 =	vld [tilespmem:s30+$0x14000]  }
0x1fa: {  	s7 =	sor.u32 $0x380, s12;
	[tilespmem:v13+s2+$0x0] =	vst.idx.add.f32.msk $0xffff, v12  }
0x1fb: {  	v8 =	vor.u32 $0x380, v8;
	v12 =	vld [tilespmem:s7+$0x14000]  }
0x1fc: {  	[tilespmem:v22+s2+$0x0] =	vst.idx.add.f32.msk $0xffff, v11  }
0x1fd: {  	[tilespmem:v23+s2+$0x0] =	vst.idx.add.f32.msk $0xffff, v14  }
0x1fe: {  	v11 =	vor.u32 $0x380, v1;
	v1 =	vmov v7;
	[tilespmem:v16+s2+$0x0] =	vst.idx.add.f32.msk $0xffff, v15  }
0x1ff: {  	v7 =	vld [tilespmem:s6+$0x14000]  }
0x200: {  	[tilespmem:v8+s2+$0x0] =	vst.idx.add.f32.msk $0xffff, v12  }
0x201: {  	v8 =	vld [tilespmem:s0+$0x14000]  }
0x202: {  	v13 =	vor.u32 $0x280, v1;
	v12 =	vld [tilespmem:s5+$0x14000]  }
0x203: {  	[tilespmem:v11+s2+$0x0] =	vst.idx.add.f32.msk $0xffff, v4  }
0x204: {  	[tilespmem:v9+s2+$0x0] =	vst.idx.add.f32.msk $0xffff, v7  }
0x205: {  	v9 =	vld [tilespmem:s1+$0x14000]  }
.Ltmp11:
0x206: {  	[tilespmem:v10+s2+$0x0] =	vst.idx.add.f32.msk $0xffff, v8;
	(pc) =	sbr.rel @p1 .LBB2_23-.Ltmp11, $4  }
0x207: {  	[tilespmem:v13+s2+$0x0] =	vst.idx.add.f32.msk $0xffff, v12  }
0x208: {  	v7 =	vld [tilespmem:s29+$0x14000]  }
0x209: {  	v4 =	vld [tilespmem:s28+$0x14000]  }
0x20a: {  	s19 =	sadd.s32 $0x40, s19;
	s20 =	sadd.s32 $0x40, s20;
	[tilespmem:v6+s2+$0x0] =	vst.idx.add.f32.msk $0xffff, v9  }
0x20b: {  	_ = 	snop  }
0x20c: {  	v6 =	vor.u32 $0x300, v1;
	_ =	sdelay $0x1  }
0x20d: {  	v8 =	vld [tilespmem:s26+$0x14000]  }
0x20e: {  	[tilespmem:v5+s2+$0x0] =	vst.idx.add.f32.msk $0xffff, v7  }
0x20f: {  	v62 =	vld [tilespmem:s22+$0x14000]  }
0x210: {  	[tilespmem:v6+s2+$0x0] =	vst.idx.add.f32.msk $0xffff, v4  }
0x211: {  	v1 =	vor.u32 $0x380, v1;
	v63 =	vld [tilespmem:s23+$0x14000];
	_ =	sdelay $0x2  }
0x212: {  	[tilespmem:v3+s2+$0x0] =	vst.idx.add.f32.msk $0xffff, v8  }
0x213: {  	[tilespmem:v2+s2+$0x0] =	vst.idx.add.f32.msk $0xffff, v62  }
0x214: {  	[tilespmem:v1+s2+$0x0] =	vst.idx.add.f32.msk $0xffff, v63  }
0x215: {  	s1 =	simm.s32 $0x3;
	s0 =	rddreg [dreg:$0x4]  }
0x216: {  	[hbm4b:s0+s2] =	stream.linear.scatter [tilespmem:s2], [sflag:$0x3], $0x14000, $0x38;
	[tilespmem:$0x19A00] =	vst v63  }
0x217: {  	_ =	swait.ge [sflag:s1], $0x14000  }
0x218: {  	s5 =	rddreg [dreg:$0x6]  }
0x219: {  	s31 =	rddreg [dreg:$0x5];
	s5 =	sadd.s32 $0x1, s5  }
0x21a: {  	p0 =	sne.s32 s5, s31  }
.Ltmp12:
0x21b: {  	_ = 	snop;
	(pc) =	sbr.rel @p0 .LBB2_1-.Ltmp12, $3  }
0x21c: {  	_ =	sdelay $0x1  }
0x21d: {  	[sflag:s1] =	ssyncset.done $0x0  }
0x21e: {  	[sflag:s1] =	ssyncadd.s32 $0xFFFEC000  }
0x21f: {  	_ =	sfence.sel $0x180000  }
0x220: {  	[bflag:$0x0] =	sbarrier.arrive $0xFFFF  }
0x221: {  	_ =	strace $0x90000047  }
0x222: {  	s0 =	stileid.u32;
	[bflag:$0x2] =	sbarrier.arrive $0xFFFF  }
0x223: {  	p0 =	sne.s32 s0, $0x0;
	s0 =	rddreg [dreg:$0x3]  }
0x224: {  	s0 =	sadd.s32 @!p0 $0x100000, s0  }
0x225: {  	[sflag:s0] =	ssyncadd.tile.s32 @!p0 $0x1;
	_ =	shalt  }
.Lfunc_end2:
_tile_overlayer_lowered:
.L_overlay_start_2:
0x226: {  	(tag) =	ssettag $0x2  }
0x227: {  	s0 =	rddreg [dreg:$0x0];
	s2 =	stileid.u32  }
0x228: {  	s1 =	rddreg [dreg:$0x1];
	p0 =	sne.s32 s2, $0x0  }
0x229: {  	s3 =	rddreg [dreg:$0x2];
	[bflag:$0x3] =	sbarrier.arrive $0xFFFF;
	s2 =	simm.s32 @!p0 $0x1C03  }
0x22a: {  	[timem:s3], [sflag:s2] =	dma.local @!p0 [hbm:s0], s1  }
0x22b: {  	s0 =	simm.s32 @!p0 $0x3  }
0x22c: {  	_ =	swait.ge @!p0 [sflag:s0], s1  }
0x22d: {  	s1 =	ssub.s32 @!p0 $0x0, s1;
	[sflag:s0] =	ssyncset.done @!p0 $0x0  }
0x22e: {  	[sflag:s0] =	ssyncadd.s32 @!p0 s1  }
0x22f: {  	[bflag:$0x3] =	sbarrier.arrive $0xFFFF  }
0x230: {  	_ =	shalt  }

</sc_bundles>
